<compile_context>
chip_gen: v7x
topology: tpu7x:2x2x1
jax: 0.10.2.dev20260603
libtpu: 0.0.44.dev20260713+nightly
codegen_flags: <defaults>
</compile_context>

<pallas_src>
import jax
import jax.numpy as jnp
from jax import lax
from jax.experimental import pallas as pl
from jax.experimental.pallas import tpu as pltpu
from jax.experimental.pallas import tpu_sc as plsc

N = 10000
NP = 10240
E = 320000
D = 128
NC = 2
NS = 16
NW = NC * NS
EPT = E // NW
K = 80
CH = EPT // K
STRIPE = NP // NS

_MESH = plsc.VectorSubcoreMesh(
    core_axis_name="c", subcore_axis_name="s", num_cores=NC, num_subcores=NS)
_SC_PARAMS = pltpu.CompilerParams(use_tc_tiling_on_sc=False)


def _zero_vmem_rows(ref, nrows, ncols):
  z = jnp.zeros((16,), jnp.float32)

  def body(i, carry):
    r = i // (ncols // 16)
    col = (i % (ncols // 16)) * 16
    ref[r, pl.ds(col, 16)] = z
    return carry

  lax.fori_loop(0, nrows * (ncols // 16), body, 0)


def _fill_ones_rows(ref, nrows):
  o = jnp.ones((16,), jnp.float32)

  def body(i, carry):
    ref[i, pl.ds(0, 16)] = o
    return carry

  lax.fori_loop(0, nrows, body, 0)


def _sc_counts_body(si3, so3, do3, c_out,
                    cacc0, cacc1, cacc2, cbounce, onesv, didx_all, ssem):
  c = lax.axis_index("c")
  s = lax.axis_index("s")
  blk = c * NS + s
  stripe = s * STRIPE

  _zero_vmem_rows(cbounce, STRIPE, 16)
  _fill_ones_rows(onesv, K)

  pltpu.sync_copy(cbounce, cacc0.at[pl.ds(stripe, STRIPE)])
  pltpu.sync_copy(cbounce, cacc1.at[pl.ds(stripe, STRIPE)])
  pltpu.sync_copy(cbounce, cacc2.at[pl.ds(stripe, STRIPE)])
  plsc.subcore_barrier()

  B = 5

  for idx3, cacc in ((so3, cacc0), (do3, cacc1), (si3, cacc2)):
    pltpu.sync_copy(idx3.at[blk], didx_all)

    def cbody(g, carry, cacc=cacc):
      for b in range(B):
        pltpu.async_copy(onesv, cacc.at[didx_all.at[g * B + b]], ssem,
                         add=True)
      for b in range(B):
        pltpu.make_async_copy(onesv, cacc.at[didx_all.at[g * B + b]],
                              ssem).wait()
      return carry

    lax.fori_loop(0, CH // B, cbody, 0)
  plsc.subcore_barrier()

  for j, cacc in enumerate((cacc0, cacc1, cacc2)):
    pltpu.sync_copy(cacc.at[pl.ds(stripe, STRIPE)], cbounce)
    pltpu.sync_copy(
        cbounce, c_out.at[pl.ds((j * NC + c) * NP + stripe, STRIPE)])


@jax.jit
def _sc_counts(dst_rev3, src_of3, dst_of3):
  return pl.kernel(
      _sc_counts_body,
      out_type=jax.ShapeDtypeStruct((3 * NC * NP, 16), jnp.float32),
      mesh=_MESH,
      compiler_params=_SC_PARAMS,
      scratch_types=[
          pltpu.VMEM_SHARED((NP, 16), jnp.float32),
          pltpu.VMEM_SHARED((NP, 16), jnp.float32),
          pltpu.VMEM_SHARED((NP, 16), jnp.float32),
          pltpu.VMEM((STRIPE, 16), jnp.float32),
          pltpu.VMEM((K, 16), jnp.float32),
          pltpu.VMEM((CH, K), jnp.int32),
          pltpu.SemaphoreType.DMA,
      ],
  )(dst_rev3, src_of3, dst_of3)


def _sc_spmm_body(x_hbm, si3, di3, s_out,
                  sacc, sidx_all, didx_all, rows,
                  gsem0, gsem1, ssem0, ssem1):
  c = lax.axis_index("c")
  s = lax.axis_index("s")
  blk = c * NS + s
  stripe = s * STRIPE

  _zero_vmem_rows(rows.at[0], K, D)
  for j in range(STRIPE // K):
    pltpu.sync_copy(rows.at[0], sacc.at[pl.ds(stripe + j * K, K)])
  pltpu.sync_copy(si3.at[blk], sidx_all)
  pltpu.sync_copy(di3.at[blk], didx_all)
  plsc.subcore_barrier()

  pltpu.async_copy(x_hbm.at[sidx_all.at[0]], rows.at[0], gsem0)

  def body(i, carry):
    def step(b, gsem_b, gsem_o, ssem_b, ssem_o):
      pltpu.make_async_copy(
          x_hbm.at[sidx_all.at[i]], rows.at[b], gsem_b).wait()

      @pl.when(i >= 1)
      def _():
        pltpu.make_async_copy(
            rows.at[1 - b], sacc.at[didx_all.at[i - 1]], ssem_o).wait()

      @pl.when(i + 1 < CH)
      def _():
        pltpu.async_copy(x_hbm.at[sidx_all.at[i + 1]], rows.at[1 - b], gsem_o)

      pltpu.async_copy(rows.at[b], sacc.at[didx_all.at[i]], ssem_b, add=True)

    @pl.when(lax.rem(i, 2) == 0)
    def _():
      step(0, gsem0, gsem1, ssem0, ssem1)

    @pl.when(lax.rem(i, 2) == 1)
    def _():
      step(1, gsem1, gsem0, ssem1, ssem0)

    return carry

  lax.fori_loop(0, CH, body, 0)
  pltpu.make_async_copy(
      rows.at[0], sacc.at[didx_all.at[CH - 1]], ssem0).wait()
  plsc.subcore_barrier()

  for j in range(STRIPE // K):
    pltpu.sync_copy(sacc.at[pl.ds(stripe + j * K, K)], rows.at[0])
    pltpu.sync_copy(rows.at[0], s_out.at[pl.ds(c * NP + stripe + j * K, K)])


@jax.jit
def _sc_spmm(x, si3, di3):
  return pl.kernel(
      _sc_spmm_body,
      out_type=jax.ShapeDtypeStruct((NC * NP, D), jnp.float32),
      mesh=_MESH,
      compiler_params=_SC_PARAMS,
      scratch_types=[
          pltpu.VMEM_SHARED((NP, D), jnp.float32),
          pltpu.VMEM((CH, K), jnp.int32),
          pltpu.VMEM((CH, K), jnp.int32),
          pltpu.VMEM((2, K, D), jnp.float32),
          pltpu.SemaphoreType.DMA,
          pltpu.SemaphoreType.DMA,
          pltpu.SemaphoreType.DMA,
          pltpu.SemaphoreType.DMA,
      ],
  )(x, si3, di3)


BM = 1280


def _tc_mid_body(tp_ref, cp_ref, xr_ref, wn_ref, wr_ref, bs_ref, o_ref):
  t = tp_ref[0] + tp_ref[1]
  cnt = jnp.sum(cp_ref[...], axis=3)
  deg = (cnt[:, 0, :] + cnt[:, 1, :]) * (1.0 / 16.0)
  a = lax.rsqrt(jnp.maximum(deg[0], 1.0))
  inv = 1.0 / jnp.maximum(deg[2], 1.0)
  q = t * inv[:, None]
  h = (jnp.dot(q, wn_ref[...], preferred_element_type=jnp.float32)
       + jnp.dot(xr_ref[...], wr_ref[...], preferred_element_type=jnp.float32)
       + bs_ref[...])
  o_ref[...] = jnp.maximum(h, 0.0) * a[:, None]


@jax.jit
def _tc_mid(tp, cp, xr0p, wn, wr, bs):
  return pl.pallas_call(
      _tc_mid_body,
      grid=(NP // BM,),
      in_specs=[
          pl.BlockSpec((NC, BM, D), lambda i: (0, i, 0)),
          pl.BlockSpec((3, NC, BM, 16), lambda i: (0, 0, i, 0)),
          pl.BlockSpec((BM, D), lambda i: (i, 0)),
          pl.BlockSpec((D, D), lambda i: (0, 0)),
          pl.BlockSpec((D, D), lambda i: (0, 0)),
          pl.BlockSpec((1, D), lambda i: (0, 0)),
      ],
      out_specs=pl.BlockSpec((BM, D), lambda i: (i, 0)),
      out_shape=jax.ShapeDtypeStruct((NP, D), jnp.float32),
  )(tp, cp, xr0p, wn, wr, bs)


def _tc_out_body(sp_ref, cp_ref, wg_ref, bg_ref, wl_ref, bl_ref, o_ref):
  sacc = sp_ref[0] + sp_ref[1]
  cnt = jnp.sum(cp_ref[...], axis=2)
  deg = (cnt[0] + cnt[1]) * (1.0 / 16.0)
  cdeg = lax.rsqrt(jnp.maximum(deg, 1.0))
  p = sacc * cdeg[:, None]
  xo = jnp.maximum(
      jnp.dot(p, wg_ref[...], preferred_element_type=jnp.float32)
      + bg_ref[...], 0.0)
  o_ref[...] = (jnp.dot(xo, wl_ref[...], preferred_element_type=jnp.float32)
                + bl_ref[...])


@jax.jit
def _tc_out(sp, cp1, wg, bg, wl, bl):
  return pl.pallas_call(
      _tc_out_body,
      grid=(NP // BM,),
      in_specs=[
          pl.BlockSpec((NC, BM, D), lambda i: (0, i, 0)),
          pl.BlockSpec((NC, BM, 16), lambda i: (0, i, 0)),
          pl.BlockSpec((D, D), lambda i: (0, 0)),
          pl.BlockSpec((1, D), lambda i: (0, 0)),
          pl.BlockSpec((D, 64), lambda i: (0, 0)),
          pl.BlockSpec((1, 64), lambda i: (0, 0)),
      ],
      out_specs=pl.BlockSpec((BM, 64), lambda i: (i, 0)),
      out_shape=jax.ShapeDtypeStruct((NP, 64), jnp.float32),
  )(sp, cp1, wg, bg, wl, bl)


def kernel(x_retweet, x_original, edge_index_of, edge_index_rev_of,
           W_gcn_0, b_gcn_0, W_sage_nbr_0, W_sage_root_0, b_sage_0,
           W_gcn_1, b_gcn_1, W_sage_nbr_1, W_sage_root_1, b_sage_1,
           W_lin, b_lin):
  src_of = edge_index_of[0].astype(jnp.int32).reshape(NW, CH, K)
  dst_of = edge_index_of[1].astype(jnp.int32).reshape(NW, CH, K)
  src_rev = edge_index_rev_of[0].astype(jnp.int32).reshape(NW, CH, K)
  dst_rev = edge_index_rev_of[1].astype(jnp.int32).reshape(NW, CH, K)

  cflat = _sc_counts(dst_rev, src_of, dst_of)
  cp = cflat.reshape(3, NC, NP, 16)
  tp = _sc_spmm(x_original, src_rev, dst_rev).reshape(NC, NP, D)

  xr0p = jnp.pad(x_retweet, ((0, NP - N), (0, 0)))
  xr1s = _tc_mid(tp, cp, xr0p,
                 W_sage_nbr_0, W_sage_root_0, b_sage_0.reshape(1, D))

  sp = _sc_spmm(xr1s, src_of, dst_of).reshape(NC, NP, D)

  out = _tc_out(sp, cp[1], W_gcn_1, b_gcn_1.reshape(1, D),
                W_lin, b_lin.reshape(1, 64))
  return out[:N]

# --- scband reference (transcript-rebuilt; emitter-appended) ---
"""Pipeline reference for scband-geo-cov19-hetero-gnn-7164005450261 (READ-ONLY COPY).

The authoritative reference and input builder live on the scoring server;
editing this copy changes nothing except your own understanding.
"""

import jax, jax.numpy as jnp
import numpy as np

N_R = 10000
N_O = 10000
E = 320000
D = 128
H = 128
OUT = 64

def _gcn(x_src, src, dst, W, b, n_src, n_dst):
    ones = jnp.ones(src.shape[0], jnp.float32)
    deg_src = jnp.clip(jax.ops.segment_sum(ones, src, num_segments=n_src), 1.0, None)
    deg_dst = jnp.clip(jax.ops.segment_sum(ones, dst, num_segments=n_dst), 1.0, None)
    norm = jax.lax.rsqrt(deg_src)[src] * jax.lax.rsqrt(deg_dst)[dst]
    h = x_src @ W
    msg = h[src] * norm[:, None]
    return jax.ops.segment_sum(msg, dst, num_segments=n_dst) + b

def _sage(x_src, x_dst, src, dst, Wn, Wr, b, n_dst):
    ones = jnp.ones(src.shape[0], jnp.float32)
    deg = jnp.clip(jax.ops.segment_sum(ones, dst, num_segments=n_dst), 1.0, None)
    agg = jax.ops.segment_sum(x_src[src], dst, num_segments=n_dst) / deg[:, None]
    return agg @ Wn + x_dst @ Wr + b

def setup_inputs(seed: int = 0):
    key = jax.random.key(seed)
    ks = jax.random.split(key, 24)
    inp = {}
    inp['x_retweet'] = jax.random.normal(ks[0], (N_R, D), jnp.float32)
    inp['x_original'] = jax.random.normal(ks[1], (N_O, D), jnp.float32)
    inp['edge_index_of'] = jax.random.randint(ks[2], (2, E), 0, N_O)
    inp['edge_index_rev_of'] = jax.random.randint(ks[3], (2, E), 0, N_R)
    k = 4
    for l in range(2):
        ind = D if l == 0 else H
        inp['W_gcn_%d' % l] = jax.random.normal(ks[k], (ind, H), jnp.float32) / np.sqrt(ind); k += 1
        inp['b_gcn_%d' % l] = jnp.zeros((H,), jnp.float32)
        inp['W_sage_nbr_%d' % l] = jax.random.normal(ks[k], (ind, H), jnp.float32) / np.sqrt(ind); k += 1
        inp['W_sage_root_%d' % l] = jax.random.normal(ks[k], (ind, H), jnp.float32) / np.sqrt(ind); k += 1
        inp['b_sage_%d' % l] = jnp.zeros((H,), jnp.float32)
    inp['W_lin'] = jax.random.normal(ks[k], (H, OUT), jnp.float32) / np.sqrt(H)
    inp['b_lin'] = jnp.zeros((OUT,), jnp.float32)
    return inp

def reference(x_retweet, x_original, edge_index_of, edge_index_rev_of,
              W_gcn_0, b_gcn_0, W_sage_nbr_0, W_sage_root_0, b_sage_0,
              W_gcn_1, b_gcn_1, W_sage_nbr_1, W_sage_root_1, b_sage_1,
              W_lin, b_lin):
    src_of, dst_of = edge_index_of[0], edge_index_of[1]
    src_rev, dst_rev = edge_index_rev_of[0], edge_index_rev_of[1]
    xr, xo = x_retweet, x_original
    layers = [(W_gcn_0, b_gcn_0, W_sage_nbr_0, W_sage_root_0, b_sage_0),
              (W_gcn_1, b_gcn_1, W_sage_nbr_1, W_sage_root_1, b_sage_1)]
    for (Wg, bg, Wn, Wr, bs) in layers:
        new_o = jax.nn.relu(_gcn(xr, src_of, dst_of, Wg, bg, N_R, N_O))
        new_r = jax.nn.relu(_sage(xo, xr, src_rev, dst_rev, Wn, Wr, bs, N_R))
        xr, xo = new_r, new_o
    return xo @ W_lin + b_lin

if __name__ == "__main__":
    import jax
    _d = setup_inputs()
    print(jax.jit(kernel)(*tuple(_d.values())))

</pallas_src>

<mosaic_0001>
#map = affine_map<(d0, d1) -> (0, 0, 0)>
#map1 = affine_map<(d0, d1) -> (0, 0)>
module attributes {stable_mosaic.version = 14 : i64} {
  func.func @_sc_counts_body(%arg0: i32, %arg1: i32, %arg2: memref<32x125x80xi32, #tpu.memory_space<hbm>>, %arg3: memref<32x125x80xi32, #tpu.memory_space<hbm>>, %arg4: memref<32x125x80xi32, #tpu.memory_space<hbm>>, %arg5: memref<61440x16xf32, #tpu.memory_space<hbm>>, %arg6: memref<10240x16xf32, #tpu.memory_space<vmem_shared>>, %arg7: memref<10240x16xf32, #tpu.memory_space<vmem_shared>>, %arg8: memref<10240x16xf32, #tpu.memory_space<vmem_shared>>, %arg9: memref<640x16xf32, #tpu.memory_space<vmem>>, %arg10: memref<80x16xf32, #tpu.memory_space<vmem>>, %arg11: memref<125x80xi32, #tpu.memory_space<vmem>>, %arg12: memref<!tpu.dma_semaphore, #tpu.memory_space<semaphore_mem>>) attributes {dimension_semantics = [#tpu.dimension_semantics<core_parallel>, #tpu.dimension_semantics<subcore_parallel>], iteration_bounds = array<i64: 2, 16>, scalar_prefetch = 0 : i64, scratch_operands = 7 : i64, tpu.core_type = #tpu.core_type<sc_vector_subcore>, window_params = [{transform_indices = #map}, {transform_indices = #map}, {transform_indices = #map}, {transform_indices = #map1}]} {
    %mul3A = arith.constant 16 : i32
    %mul3A_0 = arith.muli %arg0, %mul3A : i32
    %add3A = arith.addi %mul3A_0, %arg1 : i32
    %mul3A_1 = arith.constant 640 : i32
    %mul3A_2 = arith.muli %arg1, %mul3A_1 : i32
    %broadcast_in_dim3A = arith.constant 0.000000e+00 : f32
    %broadcast_in_dim3A_3 = vector.broadcast %broadcast_in_dim3A : f32 to vector<16xf32>
    %scan3A = arith.constant 0 : i32
    %scan3A_4 = arith.constant 0 : i32
    %scan3A_5 = arith.constant 640 : i32
    %scan3A_6 = arith.addi %scan3A_4, %scan3A_5 : i32
    %scan3A_7 = arith.constant 1 : i32
    scf.for %scan3A_51 = %scan3A_4 to %scan3A_6 step %scan3A_7  : i32 {
      %jit3A = arith.constant 1 : i32
      %div3A = arith.divsi %scan3A_51, %jit3A : i32
      %sign3A = arith.constant 0 : i32
      %sign3A_52 = arith.cmpi sgt, %scan3A_51, %sign3A : i32
      %sign3A_53 = arith.extui %sign3A_52 : i1 to i32
      %sign3A_54 = arith.constant 0 : i32
      %sign3A_55 = arith.cmpi slt, %scan3A_51, %sign3A_54 : i32
      %sign3A_56 = arith.extui %sign3A_55 : i1 to i32
      %sign3A_57 = arith.subi %sign3A_53, %sign3A_56 : i32
      %sign3A_58 = arith.constant 0 : i32
      %sign3A_59 = arith.cmpi sgt, %jit3A, %sign3A_58 : i32
      %sign3A_60 = arith.extui %sign3A_59 : i1 to i32
      %sign3A_61 = arith.constant 0 : i32
      %sign3A_62 = arith.cmpi slt, %jit3A, %sign3A_61 : i32
      %sign3A_63 = arith.extui %sign3A_62 : i1 to i32
      %sign3A_64 = arith.subi %sign3A_60, %sign3A_63 : i32
      %ne3A = arith.cmpi ne, %sign3A_57, %sign3A_64 : i32
      %rem3A = arith.remsi %scan3A_51, %jit3A : i32
      %ne3A_65 = arith.constant 0 : i32
      %ne3A_66 = arith.cmpi ne, %rem3A, %ne3A_65 : i32
      %and3A = arith.andi %ne3A, %ne3A_66 : i1
      %sub3A = arith.constant 1 : i32
      %sub3A_67 = arith.subi %div3A, %sub3A : i32
      %select_n3A = arith.select %and3A, %sub3A_67, %div3A : i32
      %jit3A_68 = arith.constant 1 : i32
      %eq3A = arith.constant 0 : i32
      %eq3A_69 = arith.cmpi eq, %jit3A_68, %eq3A : i32
      %jit3A_70 = arith.constant 1 : i32
      %select_n3A_71 = arith.select %eq3A_69, %jit3A_70, %jit3A_68 : i32
      %rem3A_72 = arith.remsi %scan3A_51, %select_n3A_71 : i32
      %ne3A_73 = arith.constant 0 : i32
      %ne3A_74 = arith.cmpi ne, %rem3A_72, %ne3A_73 : i32
      %lt3A = arith.constant 0 : i32
      %lt3A_75 = arith.cmpi slt, %rem3A_72, %lt3A : i32
      %lt3A_76 = arith.constant 0 : i32
      %lt3A_77 = arith.cmpi slt, %select_n3A_71, %lt3A_76 : i32
      %ne3A_78 = arith.xori %lt3A_75, %lt3A_77 : i1
      %and3A_79 = arith.andi %ne3A_78, %ne3A_74 : i1
      %add3A_80 = arith.addi %rem3A_72, %select_n3A_71 : i32
      %select_n3A_81 = arith.select %and3A_79, %add3A_80, %rem3A_72 : i32
      %mul3A_82 = arith.constant 16 : i32
      %mul3A_83 = arith.muli %select_n3A_81, %mul3A_82 : i32
      %swap3A = arith.index_cast %select_n3A : i32 to index
      %swap3A_84 = arith.index_cast %mul3A_83 : i32 to index
      %swap3A_85 = tpu.vector_load %arg9[%swap3A, %swap3A_84] {strides = array<i32>} : memref<640x16xf32, #tpu.memory_space<vmem>>, vector<1x16xf32>,
      %swap3A_86 = vector.shape_cast %swap3A_85 : vector<1x16xf32> to vector<16xf32>
      %swap3A_87 = vector.shape_cast %broadcast_in_dim3A_3 : vector<16xf32> to vector<1x16xf32>
      tpu.vector_store %arg9[%swap3A, %swap3A_84], %swap3A_87 {strides = array<i32>} : memref<640x16xf32, #tpu.memory_space<vmem>>, vector<1x16xf32>,
    }
    %scan3A_8 = arith.constant 640 : i32
    %broadcast_in_dim3A_9 = arith.constant 1.000000e+00 : f32
    %broadcast_in_dim3A_10 = vector.broadcast %broadcast_in_dim3A_9 : f32 to vector<16xf32>
    %scan3A_11 = arith.constant 0 : i32
    %scan3A_12 = arith.constant 0 : i32
    %scan3A_13 = arith.constant 80 : i32
    %scan3A_14 = arith.addi %scan3A_12, %scan3A_13 : i32
    %scan3A_15 = arith.constant 1 : i32
    scf.for %scan3A_51 = %scan3A_12 to %scan3A_14 step %scan3A_15  : i32 {
      %swap3A = arith.index_cast %scan3A_51 : i32 to index
      %swap3A_52 = arith.constant 0 : index
      %swap3A_53 = tpu.vector_load %arg10[%swap3A, %swap3A_52] {strides = array<i32>} : memref<80x16xf32, #tpu.memory_space<vmem>>, vector<1x16xf32>,
      %swap3A_54 = vector.shape_cast %swap3A_53 : vector<1x16xf32> to vector<16xf32>
      %swap3A_55 = vector.shape_cast %broadcast_in_dim3A_10 : vector<16xf32> to vector<1x16xf32>
      tpu.vector_store %arg10[%swap3A, %swap3A_52], %swap3A_55 {strides = array<i32>} : memref<80x16xf32, #tpu.memory_space<vmem>>, vector<1x16xf32>,
    }
    %scan3A_16 = arith.constant 80 : i32
    "tpu.region"() ({
      %run_scoped3A = tpu.sem_alloc : memref<!tpu.dma_semaphore, #tpu.memory_space<semaphore_mem>>
      %dma_start3A = arith.constant 0 : i32
      %dma_start3A_51 = tpu.memref_slice %arg6[%mul3A_2, %dma_start3A] : memref<10240x16xf32, #tpu.memory_space<vmem_shared>> -> memref<640x16xf32, #tpu.memory_space<vmem_shared>>
      %dma_start3A_52 = arith.constant 0 : i32
      %dma_start3A_53 = tpu.memref_slice %arg6[%mul3A_2, %dma_start3A_52] : memref<10240x16xf32, #tpu.memory_space<vmem_shared>> -> memref<640x16xf32, #tpu.memory_space<vmem_shared>>
      tpu.enqueue_dma source(%arg9 : memref<640x16xf32, #tpu.memory_space<vmem>>) target(%dma_start3A_53 : memref<640x16xf32, #tpu.memory_space<vmem_shared>>) target_semaphore(%run_scoped3A : memref<!tpu.dma_semaphore, #tpu.memory_space<semaphore_mem>>)
      %dma_wait3A = arith.constant 0 : i32
      %dma_wait3A_54 = tpu.memref_slice %arg6[%mul3A_2, %dma_wait3A] : memref<10240x16xf32, #tpu.memory_space<vmem_shared>> -> memref<640x16xf32, #tpu.memory_space<vmem_shared>>
      %dma_wait3A_55 = arith.constant 0 : i32
      %dma_wait3A_56 = tpu.memref_slice %arg6[%mul3A_2, %dma_wait3A_55] : memref<10240x16xf32, #tpu.memory_space<vmem_shared>> -> memref<640x16xf32, #tpu.memory_space<vmem_shared>>
      tpu.wait_dma2 semaphore(%run_scoped3A : memref<!tpu.dma_semaphore, #tpu.memory_space<semaphore_mem>>) src(%arg9 : memref<640x16xf32, #tpu.memory_space<vmem>>) dst(%dma_wait3A_56 : memref<640x16xf32, #tpu.memory_space<vmem_shared>>)
      tpu.yield
    }) : () -> ()
    "tpu.region"() ({
      %run_scoped3A = tpu.sem_alloc : memref<!tpu.dma_semaphore, #tpu.memory_space<semaphore_mem>>
      %dma_start3A = arith.constant 0 : i32
      %dma_start3A_51 = tpu.memref_slice %arg7[%mul3A_2, %dma_start3A] : memref<10240x16xf32, #tpu.memory_space<vmem_shared>> -> memref<640x16xf32, #tpu.memory_space<vmem_shared>>
      %dma_start3A_52 = arith.constant 0 : i32
      %dma_start3A_53 = tpu.memref_slice %arg7[%mul3A_2, %dma_start3A_52] : memref<10240x16xf32, #tpu.memory_space<vmem_shared>> -> memref<640x16xf32, #tpu.memory_space<vmem_shared>>
      tpu.enqueue_dma source(%arg9 : memref<640x16xf32, #tpu.memory_space<vmem>>) target(%dma_start3A_53 : memref<640x16xf32, #tpu.memory_space<vmem_shared>>) target_semaphore(%run_scoped3A : memref<!tpu.dma_semaphore, #tpu.memory_space<semaphore_mem>>)
      %dma_wait3A = arith.constant 0 : i32
      %dma_wait3A_54 = tpu.memref_slice %arg7[%mul3A_2, %dma_wait3A] : memref<10240x16xf32, #tpu.memory_space<vmem_shared>> -> memref<640x16xf32, #tpu.memory_space<vmem_shared>>
      %dma_wait3A_55 = arith.constant 0 : i32
      %dma_wait3A_56 = tpu.memref_slice %arg7[%mul3A_2, %dma_wait3A_55] : memref<10240x16xf32, #tpu.memory_space<vmem_shared>> -> memref<640x16xf32, #tpu.memory_space<vmem_shared>>
      tpu.wait_dma2 semaphore(%run_scoped3A : memref<!tpu.dma_semaphore, #tpu.memory_space<semaphore_mem>>) src(%arg9 : memref<640x16xf32, #tpu.memory_space<vmem>>) dst(%dma_wait3A_56 : memref<640x16xf32, #tpu.memory_space<vmem_shared>>)
      tpu.yield
    }) : () -> ()
    "tpu.region"() ({
      %run_scoped3A = tpu.sem_alloc : memref<!tpu.dma_semaphore, #tpu.memory_space<semaphore_mem>>
      %dma_start3A = arith.constant 0 : i32
      %dma_start3A_51 = tpu.memref_slice %arg8[%mul3A_2, %dma_start3A] : memref<10240x16xf32, #tpu.memory_space<vmem_shared>> -> memref<640x16xf32, #tpu.memory_space<vmem_shared>>
      %dma_start3A_52 = arith.constant 0 : i32
      %dma_start3A_53 = tpu.memref_slice %arg8[%mul3A_2, %dma_start3A_52] : memref<10240x16xf32, #tpu.memory_space<vmem_shared>> -> memref<640x16xf32, #tpu.memory_space<vmem_shared>>
      tpu.enqueue_dma source(%arg9 : memref<640x16xf32, #tpu.memory_space<vmem>>) target(%dma_start3A_53 : memref<640x16xf32, #tpu.memory_space<vmem_shared>>) target_semaphore(%run_scoped3A : memref<!tpu.dma_semaphore, #tpu.memory_space<semaphore_mem>>)
      %dma_wait3A = arith.constant 0 : i32
      %dma_wait3A_54 = tpu.memref_slice %arg8[%mul3A_2, %dma_wait3A] : memref<10240x16xf32, #tpu.memory_space<vmem_shared>> -> memref<640x16xf32, #tpu.memory_space<vmem_shared>>
      %dma_wait3A_55 = arith.constant 0 : i32
      %dma_wait3A_56 = tpu.memref_slice %arg8[%mul3A_2, %dma_wait3A_55] : memref<10240x16xf32, #tpu.memory_space<vmem_shared>> -> memref<640x16xf32, #tpu.memory_space<vmem_shared>>
      tpu.wait_dma2 semaphore(%run_scoped3A : memref<!tpu.dma_semaphore, #tpu.memory_space<semaphore_mem>>) src(%arg9 : memref<640x16xf32, #tpu.memory_space<vmem>>) dst(%dma_wait3A_56 : memref<640x16xf32, #tpu.memory_space<vmem_shared>>)
      tpu.yield
    }) : () -> ()
    %barrier3A = arith.constant 0 : index
    tpu.barrier barrier_id(%barrier3A)
    "tpu.region"() ({
      %run_scoped3A = tpu.sem_alloc : memref<!tpu.dma_semaphore, #tpu.memory_space<semaphore_mem>>
      %dma_start3A = arith.constant 0 : i32
      %dma_start3A_51 = arith.constant 0 : i32
      %dma_start3A_52 = tpu.memref_slice %arg3[%add3A, %dma_start3A, %dma_start3A_51] : memref<32x125x80xi32, #tpu.memory_space<hbm>> -> memref<1x125x80xi32, #tpu.memory_space<hbm>>
      %dma_start3A_53 = tpu.memref_squeeze %dma_start3A_52 : memref<1x125x80xi32, #tpu.memory_space<hbm>> -> memref<125x80xi32, #tpu.memory_space<hbm>>
      %dma_start3A_54 = arith.constant 0 : i32
      %dma_start3A_55 = arith.constant 0 : i32
      %dma_start3A_56 = tpu.memref_slice %arg3[%add3A, %dma_start3A_54, %dma_start3A_55] : memref<32x125x80xi32, #tpu.memory_space<hbm>> -> memref<1x125x80xi32, #tpu.memory_space<hbm>>
      %dma_start3A_57 = tpu.memref_squeeze %dma_start3A_56 : memref<1x125x80xi32, #tpu.memory_space<hbm>> -> memref<125x80xi32, #tpu.memory_space<hbm>>
      tpu.enqueue_dma source(%dma_start3A_57 : memref<125x80xi32, #tpu.memory_space<hbm>>) target(%arg11 : memref<125x80xi32, #tpu.memory_space<vmem>>) target_semaphore(%run_scoped3A : memref<!tpu.dma_semaphore, #tpu.memory_space<semaphore_mem>>)
      %dma_wait3A = arith.constant 0 : i32
      %dma_wait3A_58 = arith.constant 0 : i32
      %dma_wait3A_59 = tpu.memref_slice %arg3[%add3A, %dma_wait3A, %dma_wait3A_58] : memref<32x125x80xi32, #tpu.memory_space<hbm>> -> memref<1x125x80xi32, #tpu.memory_space<hbm>>
      %dma_wait3A_60 = tpu.memref_squeeze %dma_wait3A_59 : memref<1x125x80xi32, #tpu.memory_space<hbm>> -> memref<125x80xi32, #tpu.memory_space<hbm>>
      %dma_wait3A_61 = arith.constant 0 : i32
      %dma_wait3A_62 = arith.constant 0 : i32
      %dma_wait3A_63 = tpu.memref_slice %arg3[%add3A, %dma_wait3A_61, %dma_wait3A_62] : memref<32x125x80xi32, #tpu.memory_space<hbm>> -> memref<1x125x80xi32, #tpu.memory_space<hbm>>
      %dma_wait3A_64 = tpu.memref_squeeze %dma_wait3A_63 : memref<1x125x80xi32, #tpu.memory_space<hbm>> -> memref<125x80xi32, #tpu.memory_space<hbm>>
      tpu.wait_dma2 semaphore(%run_scoped3A : memref<!tpu.dma_semaphore, #tpu.memory_space<semaphore_mem>>) src(%dma_wait3A_64 : memref<125x80xi32, #tpu.memory_space<hbm>>) dst(%arg11 : memref<125x80xi32, #tpu.memory_space<vmem>>)
      tpu.yield
    }) : () -> ()
    %scan3A_17 = arith.constant 0 : i32
    %scan3A_18 = arith.constant 0 : i32
    %scan3A_19 = arith.constant 25 : i32
    %scan3A_20 = arith.addi %scan3A_18, %scan3A_19 : i32
    %scan3A_21 = arith.constant 1 : i32
    scf.for %scan3A_51 = %scan3A_18 to %scan3A_20 step %scan3A_21  : i32 {
      %mul3A_52 = arith.constant 5 : i32
      %mul3A_53 = arith.muli %scan3A_51, %mul3A_52 : i32
      %add3A_54 = arith.constant 0 : i32
      %add3A_55 = arith.addi %mul3A_53, %add3A_54 : i32
      %dma_start3A = arith.constant 0 : i32
      %dma_start3A_56 = tpu.memref_slice %arg11[%add3A_55, %dma_start3A] : memref<125x80xi32, #tpu.memory_space<vmem>> -> memref<1x80xi32, #tpu.memory_space<vmem>>
      %dma_start3A_57 = tpu.memref_squeeze %dma_start3A_56 : memref<1x80xi32, #tpu.memory_space<vmem>> -> memref<80xi32, #tpu.memory_space<vmem>>
      %dma_start3A_58 = arith.constant 0 : i32
      %dma_start3A_59 = arith.constant 0 : i32
      %dma_start3A_60 = tpu.memref_slice %arg6[%dma_start3A_58, %dma_start3A_59] : memref<10240x16xf32, #tpu.memory_space<vmem_shared>> -> memref<10240x16xf32, #tpu.memory_space<vmem_shared>>
      tpu.enqueue_indirect_dma source(%arg10 : memref<80x16xf32, #tpu.memory_space<vmem>>) target(%dma_start3A_60 : memref<10240x16xf32, #tpu.memory_space<vmem_shared>>) offsets(%dma_start3A_57 : memref<80xi32, #tpu.memory_space<vmem>>) semaphore(%arg12 : memref<!tpu.dma_semaphore, #tpu.memory_space<semaphore_mem>>) {add = true}
      %mul3A_61 = arith.constant 5 : i32
      %mul3A_62 = arith.muli %scan3A_51, %mul3A_61 : i32
      %add3A_63 = arith.constant 1 : i32
      %add3A_64 = arith.addi %mul3A_62, %add3A_63 : i32
      %dma_start3A_65 = arith.constant 0 : i32
      %dma_start3A_66 = tpu.memref_slice %arg11[%add3A_64, %dma_start3A_65] : memref<125x80xi32, #tpu.memory_space<vmem>> -> memref<1x80xi32, #tpu.memory_space<vmem>>
      %dma_start3A_67 = tpu.memref_squeeze %dma_start3A_66 : memref<1x80xi32, #tpu.memory_space<vmem>> -> memref<80xi32, #tpu.memory_space<vmem>>
      %dma_start3A_68 = arith.constant 0 : i32
      %dma_start3A_69 = arith.constant 0 : i32
      %dma_start3A_70 = tpu.memref_slice %arg6[%dma_start3A_68, %dma_start3A_69] : memref<10240x16xf32, #tpu.memory_space<vmem_shared>> -> memref<10240x16xf32, #tpu.memory_space<vmem_shared>>
      tpu.enqueue_indirect_dma source(%arg10 : memref<80x16xf32, #tpu.memory_space<vmem>>) target(%dma_start3A_70 : memref<10240x16xf32, #tpu.memory_space<vmem_shared>>) offsets(%dma_start3A_67 : memref<80xi32, #tpu.memory_space<vmem>>) semaphore(%arg12 : memref<!tpu.dma_semaphore, #tpu.memory_space<semaphore_mem>>) {add = true}
      %mul3A_71 = arith.constant 5 : i32
      %mul3A_72 = arith.muli %scan3A_51, %mul3A_71 : i32
      %add3A_73 = arith.constant 2 : i32
      %add3A_74 = arith.addi %mul3A_72, %add3A_73 : i32
      %dma_start3A_75 = arith.constant 0 : i32
      %dma_start3A_76 = tpu.memref_slice %arg11[%add3A_74, %dma_start3A_75] : memref<125x80xi32, #tpu.memory_space<vmem>> -> memref<1x80xi32, #tpu.memory_space<vmem>>
      %dma_start3A_77 = tpu.memref_squeeze %dma_start3A_76 : memref<1x80xi32, #tpu.memory_space<vmem>> -> memref<80xi32, #tpu.memory_space<vmem>>
      %dma_start3A_78 = arith.constant 0 : i32
      %dma_start3A_79 = arith.constant 0 : i32
      %dma_start3A_80 = tpu.memref_slice %arg6[%dma_start3A_78, %dma_start3A_79] : memref<10240x16xf32, #tpu.memory_space<vmem_shared>> -> memref<10240x16xf32, #tpu.memory_space<vmem_shared>>
      tpu.enqueue_indirect_dma source(%arg10 : memref<80x16xf32, #tpu.memory_space<vmem>>) target(%dma_start3A_80 : memref<10240x16xf32, #tpu.memory_space<vmem_shared>>) offsets(%dma_start3A_77 : memref<80xi32, #tpu.memory_space<vmem>>) semaphore(%arg12 : memref<!tpu.dma_semaphore, #tpu.memory_space<semaphore_mem>>) {add = true}
      %mul3A_81 = arith.constant 5 : i32
      %mul3A_82 = arith.muli %scan3A_51, %mul3A_81 : i32
      %add3A_83 = arith.constant 3 : i32
      %add3A_84 = arith.addi %mul3A_82, %add3A_83 : i32
      %dma_start3A_85 = arith.constant 0 : i32
      %dma_start3A_86 = tpu.memref_slice %arg11[%add3A_84, %dma_start3A_85] : memref<125x80xi32, #tpu.memory_space<vmem>> -> memref<1x80xi32, #tpu.memory_space<vmem>>
      %dma_start3A_87 = tpu.memref_squeeze %dma_start3A_86 : memref<1x80xi32, #tpu.memory_space<vmem>> -> memref<80xi32, #tpu.memory_space<vmem>>
      %dma_start3A_88 = arith.constant 0 : i32
      %dma_start3A_89 = arith.constant 0 : i32
      %dma_start3A_90 = tpu.memref_slice %arg6[%dma_start3A_88, %dma_start3A_89] : memref<10240x16xf32, #tpu.memory_space<vmem_shared>> -> memref<10240x16xf32, #tpu.memory_space<vmem_shared>>
      tpu.enqueue_indirect_dma source(%arg10 : memref<80x16xf32, #tpu.memory_space<vmem>>) target(%dma_start3A_90 : memref<10240x16xf32, #tpu.memory_space<vmem_shared>>) offsets(%dma_start3A_87 : memref<80xi32, #tpu.memory_space<vmem>>) semaphore(%arg12 : memref<!tpu.dma_semaphore, #tpu.memory_space<semaphore_mem>>) {add = true}
      %mul3A_91 = arith.constant 5 : i32
      %mul3A_92 = arith.muli %scan3A_51, %mul3A_91 : i32
      %add3A_93 = arith.constant 4 : i32
      %add3A_94 = arith.addi %mul3A_92, %add3A_93 : i32
      %dma_start3A_95 = arith.constant 0 : i32
      %dma_start3A_96 = tpu.memref_slice %arg11[%add3A_94, %dma_start3A_95] : memref<125x80xi32, #tpu.memory_space<vmem>> -> memref<1x80xi32, #tpu.memory_space<vmem>>
      %dma_start3A_97 = tpu.memref_squeeze %dma_start3A_96 : memref<1x80xi32, #tpu.memory_space<vmem>> -> memref<80xi32, #tpu.memory_space<vmem>>
      %dma_start3A_98 = arith.constant 0 : i32
      %dma_start3A_99 = arith.constant 0 : i32
      %dma_start3A_100 = tpu.memref_slice %arg6[%dma_start3A_98, %dma_start3A_99] : memref<10240x16xf32, #tpu.memory_space<vmem_shared>> -> memref<10240x16xf32, #tpu.memory_space<vmem_shared>>
      tpu.enqueue_indirect_dma source(%arg10 : memref<80x16xf32, #tpu.memory_space<vmem>>) target(%dma_start3A_100 : memref<10240x16xf32, #tpu.memory_space<vmem_shared>>) offsets(%dma_start3A_97 : memref<80xi32, #tpu.memory_space<vmem>>) semaphore(%arg12 : memref<!tpu.dma_semaphore, #tpu.memory_space<semaphore_mem>>) {add = true}
      %mul3A_101 = arith.constant 5 : i32
      %mul3A_102 = arith.muli %scan3A_51, %mul3A_101 : i32
      %add3A_103 = arith.constant 0 : i32
      %add3A_104 = arith.addi %mul3A_102, %add3A_103 : i32
      %dma_wait3A = arith.constant 0 : i32
      %dma_wait3A_105 = tpu.memref_slice %arg11[%add3A_104, %dma_wait3A] : memref<125x80xi32, #tpu.memory_space<vmem>> -> memref<1x80xi32, #tpu.memory_space<vmem>>
      %dma_wait3A_106 = tpu.memref_squeeze %dma_wait3A_105 : memref<1x80xi32, #tpu.memory_space<vmem>> -> memref<80xi32, #tpu.memory_space<vmem>>
      %dma_wait3A_107 = arith.constant 0 : i32
      %dma_wait3A_108 = arith.constant 0 : i32
      %dma_wait3A_109 = tpu.memref_slice %arg6[%dma_wait3A_107, %dma_wait3A_108] : memref<10240x16xf32, #tpu.memory_space<vmem_shared>> -> memref<10240x16xf32, #tpu.memory_space<vmem_shared>>
      tpu.wait_indirect_dma semaphore(%arg12 : memref<!tpu.dma_semaphore, #tpu.memory_space<semaphore_mem>>) src(%arg10 : memref<80x16xf32, #tpu.memory_space<vmem>>) dst(%dma_wait3A_109 : memref<10240x16xf32, #tpu.memory_space<vmem_shared>>)
      %mul3A_110 = arith.constant 5 : i32
      %mul3A_111 = arith.muli %scan3A_51, %mul3A_110 : i32
      %add3A_112 = arith.constant 1 : i32
      %add3A_113 = arith.addi %mul3A_111, %add3A_112 : i32
      %dma_wait3A_114 = arith.constant 0 : i32
      %dma_wait3A_115 = tpu.memref_slice %arg11[%add3A_113, %dma_wait3A_114] : memref<125x80xi32, #tpu.memory_space<vmem>> -> memref<1x80xi32, #tpu.memory_space<vmem>>
      %dma_wait3A_116 = tpu.memref_squeeze %dma_wait3A_115 : memref<1x80xi32, #tpu.memory_space<vmem>> -> memref<80xi32, #tpu.memory_space<vmem>>
      %dma_wait3A_117 = arith.constant 0 : i32
      %dma_wait3A_118 = arith.constant 0 : i32
      %dma_wait3A_119 = tpu.memref_slice %arg6[%dma_wait3A_117, %dma_wait3A_118] : memref<10240x16xf32, #tpu.memory_space<vmem_shared>> -> memref<10240x16xf32, #tpu.memory_space<vmem_shared>>
      tpu.wait_indirect_dma semaphore(%arg12 : memref<!tpu.dma_semaphore, #tpu.memory_space<semaphore_mem>>) src(%arg10 : memref<80x16xf32, #tpu.memory_space<vmem>>) dst(%dma_wait3A_119 : memref<10240x16xf32, #tpu.memory_space<vmem_shared>>)
      %mul3A_120 = arith.constant 5 : i32
      %mul3A_121 = arith.muli %scan3A_51, %mul3A_120 : i32
      %add3A_122 = arith.constant 2 : i32
      %add3A_123 = arith.addi %mul3A_121, %add3A_122 : i32
      %dma_wait3A_124 = arith.constant 0 : i32
      %dma_wait3A_125 = tpu.memref_slice %arg11[%add3A_123, %dma_wait3A_124] : memref<125x80xi32, #tpu.memory_space<vmem>> -> memref<1x80xi32, #tpu.memory_space<vmem>>
      %dma_wait3A_126 = tpu.memref_squeeze %dma_wait3A_125 : memref<1x80xi32, #tpu.memory_space<vmem>> -> memref<80xi32, #tpu.memory_space<vmem>>
      %dma_wait3A_127 = arith.constant 0 : i32
      %dma_wait3A_128 = arith.constant 0 : i32
      %dma_wait3A_129 = tpu.memref_slice %arg6[%dma_wait3A_127, %dma_wait3A_128] : memref<10240x16xf32, #tpu.memory_space<vmem_shared>> -> memref<10240x16xf32, #tpu.memory_space<vmem_shared>>
      tpu.wait_indirect_dma semaphore(%arg12 : memref<!tpu.dma_semaphore, #tpu.memory_space<semaphore_mem>>) src(%arg10 : memref<80x16xf32, #tpu.memory_space<vmem>>) dst(%dma_wait3A_129 : memref<10240x16xf32, #tpu.memory_space<vmem_shared>>)
      %mul3A_130 = arith.constant 5 : i32
      %mul3A_131 = arith.muli %scan3A_51, %mul3A_130 : i32
      %add3A_132 = arith.constant 3 : i32
      %add3A_133 = arith.addi %mul3A_131, %add3A_132 : i32
      %dma_wait3A_134 = arith.constant 0 : i32
      %dma_wait3A_135 = tpu.memref_slice %arg11[%add3A_133, %dma_wait3A_134] : memref<125x80xi32, #tpu.memory_space<vmem>> -> memref<1x80xi32, #tpu.memory_space<vmem>>
      %dma_wait3A_136 = tpu.memref_squeeze %dma_wait3A_135 : memref<1x80xi32, #tpu.memory_space<vmem>> -> memref<80xi32, #tpu.memory_space<vmem>>
      %dma_wait3A_137 = arith.constant 0 : i32
      %dma_wait3A_138 = arith.constant 0 : i32
      %dma_wait3A_139 = tpu.memref_slice %arg6[%dma_wait3A_137, %dma_wait3A_138] : memref<10240x16xf32, #tpu.memory_space<vmem_shared>> -> memref<10240x16xf32, #tpu.memory_space<vmem_shared>>
      tpu.wait_indirect_dma semaphore(%arg12 : memref<!tpu.dma_semaphore, #tpu.memory_space<semaphore_mem>>) src(%arg10 : memref<80x16xf32, #tpu.memory_space<vmem>>) dst(%dma_wait3A_139 : memref<10240x16xf32, #tpu.memory_space<vmem_shared>>)
      %mul3A_140 = arith.constant 5 : i32
      %mul3A_141 = arith.muli %scan3A_51, %mul3A_140 : i32
      %add3A_142 = arith.constant 4 : i32
      %add3A_143 = arith.addi %mul3A_141, %add3A_142 : i32
      %dma_wait3A_144 = arith.constant 0 : i32
      %dma_wait3A_145 = tpu.memref_slice %arg11[%add3A_143, %dma_wait3A_144] : memref<125x80xi32, #tpu.memory_space<vmem>> -> memref<1x80xi32, #tpu.memory_space<vmem>>
      %dma_wait3A_146 = tpu.memref_squeeze %dma_wait3A_145 : memref<1x80xi32, #tpu.memory_space<vmem>> -> memref<80xi32, #tpu.memory_space<vmem>>
      %dma_wait3A_147 = arith.constant 0 : i32
      %dma_wait3A_148 = arith.constant 0 : i32
      %dma_wait3A_149 = tpu.memref_slice %arg6[%dma_wait3A_147, %dma_wait3A_148] : memref<10240x16xf32, #tpu.memory_space<vmem_shared>> -> memref<10240x16xf32, #tpu.memory_space<vmem_shared>>
      tpu.wait_indirect_dma semaphore(%arg12 : memref<!tpu.dma_semaphore, #tpu.memory_space<semaphore_mem>>) src(%arg10 : memref<80x16xf32, #tpu.memory_space<vmem>>) dst(%dma_wait3A_149 : memref<10240x16xf32, #tpu.memory_space<vmem_shared>>)
    }
    %scan3A_22 = arith.constant 25 : i32
    "tpu.region"() ({
      %run_scoped3A = tpu.sem_alloc : memref<!tpu.dma_semaphore, #tpu.memory_space<semaphore_mem>>
      %dma_start3A = arith.constant 0 : i32
      %dma_start3A_51 = arith.constant 0 : i32
      %dma_start3A_52 = tpu.memref_slice %arg4[%add3A, %dma_start3A, %dma_start3A_51] : memref<32x125x80xi32, #tpu.memory_space<hbm>> -> memref<1x125x80xi32, #tpu.memory_space<hbm>>
      %dma_start3A_53 = tpu.memref_squeeze %dma_start3A_52 : memref<1x125x80xi32, #tpu.memory_space<hbm>> -> memref<125x80xi32, #tpu.memory_space<hbm>>
      %dma_start3A_54 = arith.constant 0 : i32
      %dma_start3A_55 = arith.constant 0 : i32
      %dma_start3A_56 = tpu.memref_slice %arg4[%add3A, %dma_start3A_54, %dma_start3A_55] : memref<32x125x80xi32, #tpu.memory_space<hbm>> -> memref<1x125x80xi32, #tpu.memory_space<hbm>>
      %dma_start3A_57 = tpu.memref_squeeze %dma_start3A_56 : memref<1x125x80xi32, #tpu.memory_space<hbm>> -> memref<125x80xi32, #tpu.memory_space<hbm>>
      tpu.enqueue_dma source(%dma_start3A_57 : memref<125x80xi32, #tpu.memory_space<hbm>>) target(%arg11 : memref<125x80xi32, #tpu.memory_space<vmem>>) target_semaphore(%run_scoped3A : memref<!tpu.dma_semaphore, #tpu.memory_space<semaphore_mem>>)
      %dma_wait3A = arith.constant 0 : i32
      %dma_wait3A_58 = arith.constant 0 : i32
      %dma_wait3A_59 = tpu.memref_slice %arg4[%add3A, %dma_wait3A, %dma_wait3A_58] : memref<32x125x80xi32, #tpu.memory_space<hbm>> -> memref<1x125x80xi32, #tpu.memory_space<hbm>>
      %dma_wait3A_60 = tpu.memref_squeeze %dma_wait3A_59 : memref<1x125x80xi32, #tpu.memory_space<hbm>> -> memref<125x80xi32, #tpu.memory_space<hbm>>
      %dma_wait3A_61 = arith.constant 0 : i32
      %dma_wait3A_62 = arith.constant 0 : i32
      %dma_wait3A_63 = tpu.memref_slice %arg4[%add3A, %dma_wait3A_61, %dma_wait3A_62] : memref<32x125x80xi32, #tpu.memory_space<hbm>> -> memref<1x125x80xi32, #tpu.memory_space<hbm>>
      %dma_wait3A_64 = tpu.memref_squeeze %dma_wait3A_63 : memref<1x125x80xi32, #tpu.memory_space<hbm>> -> memref<125x80xi32, #tpu.memory_space<hbm>>
      tpu.wait_dma2 semaphore(%run_scoped3A : memref<!tpu.dma_semaphore, #tpu.memory_space<semaphore_mem>>) src(%dma_wait3A_64 : memref<125x80xi32, #tpu.memory_space<hbm>>) dst(%arg11 : memref<125x80xi32, #tpu.memory_space<vmem>>)
      tpu.yield
    }) : () -> ()
    %scan3A_23 = arith.constant 0 : i32
    %scan3A_24 = arith.constant 0 : i32
    %scan3A_25 = arith.constant 25 : i32
    %scan3A_26 = arith.addi %scan3A_24, %scan3A_25 : i32
    %scan3A_27 = arith.constant 1 : i32
    scf.for %scan3A_51 = %scan3A_24 to %scan3A_26 step %scan3A_27  : i32 {
      %mul3A_52 = arith.constant 5 : i32
      %mul3A_53 = arith.muli %scan3A_51, %mul3A_52 : i32
      %add3A_54 = arith.constant 0 : i32
      %add3A_55 = arith.addi %mul3A_53, %add3A_54 : i32
      %dma_start3A = arith.constant 0 : i32
      %dma_start3A_56 = tpu.memref_slice %arg11[%add3A_55, %dma_start3A] : memref<125x80xi32, #tpu.memory_space<vmem>> -> memref<1x80xi32, #tpu.memory_space<vmem>>
      %dma_start3A_57 = tpu.memref_squeeze %dma_start3A_56 : memref<1x80xi32, #tpu.memory_space<vmem>> -> memref<80xi32, #tpu.memory_space<vmem>>
      %dma_start3A_58 = arith.constant 0 : i32
      %dma_start3A_59 = arith.constant 0 : i32
      %dma_start3A_60 = tpu.memref_slice %arg7[%dma_start3A_58, %dma_start3A_59] : memref<10240x16xf32, #tpu.memory_space<vmem_shared>> -> memref<10240x16xf32, #tpu.memory_space<vmem_shared>>
      tpu.enqueue_indirect_dma source(%arg10 : memref<80x16xf32, #tpu.memory_space<vmem>>) target(%dma_start3A_60 : memref<10240x16xf32, #tpu.memory_space<vmem_shared>>) offsets(%dma_start3A_57 : memref<80xi32, #tpu.memory_space<vmem>>) semaphore(%arg12 : memref<!tpu.dma_semaphore, #tpu.memory_space<semaphore_mem>>) {add = true}
      %mul3A_61 = arith.constant 5 : i32
      %mul3A_62 = arith.muli %scan3A_51, %mul3A_61 : i32
      %add3A_63 = arith.constant 1 : i32
      %add3A_64 = arith.addi %mul3A_62, %add3A_63 : i32
      %dma_start3A_65 = arith.constant 0 : i32
      %dma_start3A_66 = tpu.memref_slice %arg11[%add3A_64, %dma_start3A_65] : memref<125x80xi32, #tpu.memory_space<vmem>> -> memref<1x80xi32, #tpu.memory_space<vmem>>
      %dma_start3A_67 = tpu.memref_squeeze %dma_start3A_66 : memref<1x80xi32, #tpu.memory_space<vmem>> -> memref<80xi32, #tpu.memory_space<vmem>>
      %dma_start3A_68 = arith.constant 0 : i32
      %dma_start3A_69 = arith.constant 0 : i32
      %dma_start3A_70 = tpu.memref_slice %arg7[%dma_start3A_68, %dma_start3A_69] : memref<10240x16xf32, #tpu.memory_space<vmem_shared>> -> memref<10240x16xf32, #tpu.memory_space<vmem_shared>>
      tpu.enqueue_indirect_dma source(%arg10 : memref<80x16xf32, #tpu.memory_space<vmem>>) target(%dma_start3A_70 : memref<10240x16xf32, #tpu.memory_space<vmem_shared>>) offsets(%dma_start3A_67 : memref<80xi32, #tpu.memory_space<vmem>>) semaphore(%arg12 : memref<!tpu.dma_semaphore, #tpu.memory_space<semaphore_mem>>) {add = true}
      %mul3A_71 = arith.constant 5 : i32
      %mul3A_72 = arith.muli %scan3A_51, %mul3A_71 : i32
      %add3A_73 = arith.constant 2 : i32
      %add3A_74 = arith.addi %mul3A_72, %add3A_73 : i32
      %dma_start3A_75 = arith.constant 0 : i32
      %dma_start3A_76 = tpu.memref_slice %arg11[%add3A_74, %dma_start3A_75] : memref<125x80xi32, #tpu.memory_space<vmem>> -> memref<1x80xi32, #tpu.memory_space<vmem>>
      %dma_start3A_77 = tpu.memref_squeeze %dma_start3A_76 : memref<1x80xi32, #tpu.memory_space<vmem>> -> memref<80xi32, #tpu.memory_space<vmem>>
      %dma_start3A_78 = arith.constant 0 : i32
      %dma_start3A_79 = arith.constant 0 : i32
      %dma_start3A_80 = tpu.memref_slice %arg7[%dma_start3A_78, %dma_start3A_79] : memref<10240x16xf32, #tpu.memory_space<vmem_shared>> -> memref<10240x16xf32, #tpu.memory_space<vmem_shared>>
      tpu.enqueue_indirect_dma source(%arg10 : memref<80x16xf32, #tpu.memory_space<vmem>>) target(%dma_start3A_80 : memref<10240x16xf32, #tpu.memory_space<vmem_shared>>) offsets(%dma_start3A_77 : memref<80xi32, #tpu.memory_space<vmem>>) semaphore(%arg12 : memref<!tpu.dma_semaphore, #tpu.memory_space<semaphore_mem>>) {add = true}
      %mul3A_81 = arith.constant 5 : i32
      %mul3A_82 = arith.muli %scan3A_51, %mul3A_81 : i32
      %add3A_83 = arith.constant 3 : i32
      %add3A_84 = arith.addi %mul3A_82, %add3A_83 : i32
      %dma_start3A_85 = arith.constant 0 : i32
      %dma_start3A_86 = tpu.memref_slice %arg11[%add3A_84, %dma_start3A_85] : memref<125x80xi32, #tpu.memory_space<vmem>> -> memref<1x80xi32, #tpu.memory_space<vmem>>
      %dma_start3A_87 = tpu.memref_squeeze %dma_start3A_86 : memref<1x80xi32, #tpu.memory_space<vmem>> -> memref<80xi32, #tpu.memory_space<vmem>>
      %dma_start3A_88 = arith.constant 0 : i32
      %dma_start3A_89 = arith.constant 0 : i32
      %dma_start3A_90 = tpu.memref_slice %arg7[%dma_start3A_88, %dma_start3A_89] : memref<10240x16xf32, #tpu.memory_space<vmem_shared>> -> memref<10240x16xf32, #tpu.memory_space<vmem_shared>>
      tpu.enqueue_indirect_dma source(%arg10 : memref<80x16xf32, #tpu.memory_space<vmem>>) target(%dma_start3A_90 : memref<10240x16xf32, #tpu.memory_space<vmem_shared>>) offsets(%dma_start3A_87 : memref<80xi32, #tpu.memory_space<vmem>>) semaphore(%arg12 : memref<!tpu.dma_semaphore, #tpu.memory_space<semaphore_mem>>) {add = true}
      %mul3A_91 = arith.constant 5 : i32
      %mul3A_92 = arith.muli %scan3A_51, %mul3A_91 : i32
      %add3A_93 = arith.constant 4 : i32
      %add3A_94 = arith.addi %mul3A_92, %add3A_93 : i32
      %dma_start3A_95 = arith.constant 0 : i32
      %dma_start3A_96 = tpu.memref_slice %arg11[%add3A_94, %dma_start3A_95] : memref<125x80xi32, #tpu.memory_space<vmem>> -> memref<1x80xi32, #tpu.memory_space<vmem>>
      %dma_start3A_97 = tpu.memref_squeeze %dma_start3A_96 : memref<1x80xi32, #tpu.memory_space<vmem>> -> memref<80xi32, #tpu.memory_space<vmem>>
      %dma_start3A_98 = arith.constant 0 : i32
      %dma_start3A_99 = arith.constant 0 : i32
      %dma_start3A_100 = tpu.memref_slice %arg7[%dma_start3A_98, %dma_start3A_99] : memref<10240x16xf32, #tpu.memory_space<vmem_shared>> -> memref<10240x16xf32, #tpu.memory_space<vmem_shared>>
      tpu.enqueue_indirect_dma source(%arg10 : memref<80x16xf32, #tpu.memory_space<vmem>>) target(%dma_start3A_100 : memref<10240x16xf32, #tpu.memory_space<vmem_shared>>) offsets(%dma_start3A_97 : memref<80xi32, #tpu.memory_space<vmem>>) semaphore(%arg12 : memref<!tpu.dma_semaphore, #tpu.memory_space<semaphore_mem>>) {add = true}
      %mul3A_101 = arith.constant 5 : i32
      %mul3A_102 = arith.muli %scan3A_51, %mul3A_101 : i32
      %add3A_103 = arith.constant 0 : i32
      %add3A_104 = arith.addi %mul3A_102, %add3A_103 : i32
      %dma_wait3A = arith.constant 0 : i32
      %dma_wait3A_105 = tpu.memref_slice %arg11[%add3A_104, %dma_wait3A] : memref<125x80xi32, #tpu.memory_space<vmem>> -> memref<1x80xi32, #tpu.memory_space<vmem>>
      %dma_wait3A_106 = tpu.memref_squeeze %dma_wait3A_105 : memref<1x80xi32, #tpu.memory_space<vmem>> -> memref<80xi32, #tpu.memory_space<vmem>>
      %dma_wait3A_107 = arith.constant 0 : i32
      %dma_wait3A_108 = arith.constant 0 : i32
      %dma_wait3A_109 = tpu.memref_slice %arg7[%dma_wait3A_107, %dma_wait3A_108] : memref<10240x16xf32, #tpu.memory_space<vmem_shared>> -> memref<10240x16xf32, #tpu.memory_space<vmem_shared>>
      tpu.wait_indirect_dma semaphore(%arg12 : memref<!tpu.dma_semaphore, #tpu.memory_space<semaphore_mem>>) src(%arg10 : memref<80x16xf32, #tpu.memory_space<vmem>>) dst(%dma_wait3A_109 : memref<10240x16xf32, #tpu.memory_space<vmem_shared>>)
      %mul3A_110 = arith.constant 5 : i32
      %mul3A_111 = arith.muli %scan3A_51, %mul3A_110 : i32
      %add3A_112 = arith.constant 1 : i32
      %add3A_113 = arith.addi %mul3A_111, %add3A_112 : i32
      %dma_wait3A_114 = arith.constant 0 : i32
      %dma_wait3A_115 = tpu.memref_slice %arg11[%add3A_113, %dma_wait3A_114] : memref<125x80xi32, #tpu.memory_space<vmem>> -> memref<1x80xi32, #tpu.memory_space<vmem>>
      %dma_wait3A_116 = tpu.memref_squeeze %dma_wait3A_115 : memref<1x80xi32, #tpu.memory_space<vmem>> -> memref<80xi32, #tpu.memory_space<vmem>>
      %dma_wait3A_117 = arith.constant 0 : i32
      %dma_wait3A_118 = arith.constant 0 : i32
      %dma_wait3A_119 = tpu.memref_slice %arg7[%dma_wait3A_117, %dma_wait3A_118] : memref<10240x16xf32, #tpu.memory_space<vmem_shared>> -> memref<10240x16xf32, #tpu.memory_space<vmem_shared>>
      tpu.wait_indirect_dma semaphore(%arg12 : memref<!tpu.dma_semaphore, #tpu.memory_space<semaphore_mem>>) src(%arg10 : memref<80x16xf32, #tpu.memory_space<vmem>>) dst(%dma_wait3A_119 : memref<10240x16xf32, #tpu.memory_space<vmem_shared>>)
      %mul3A_120 = arith.constant 5 : i32
      %mul3A_121 = arith.muli %scan3A_51, %mul3A_120 : i32
      %add3A_122 = arith.constant 2 : i32
      %add3A_123 = arith.addi %mul3A_121, %add3A_122 : i32
      %dma_wait3A_124 = arith.constant 0 : i32
      %dma_wait3A_125 = tpu.memref_slice %arg11[%add3A_123, %dma_wait3A_124] : memref<125x80xi32, #tpu.memory_space<vmem>> -> memref<1x80xi32, #tpu.memory_space<vmem>>
      %dma_wait3A_126 = tpu.memref_squeeze %dma_wait3A_125 : memref<1x80xi32, #tpu.memory_space<vmem>> -> memref<80xi32, #tpu.memory_space<vmem>>
      %dma_wait3A_127 = arith.constant 0 : i32
      %dma_wait3A_128 = arith.constant 0 : i32
      %dma_wait3A_129 = tpu.memref_slice %arg7[%dma_wait3A_127, %dma_wait3A_128] : memref<10240x16xf32, #tpu.memory_space<vmem_shared>> -> memref<10240x16xf32, #tpu.memory_space<vmem_shared>>
      tpu.wait_indirect_dma semaphore(%arg12 : memref<!tpu.dma_semaphore, #tpu.memory_space<semaphore_mem>>) src(%arg10 : memref<80x16xf32, #tpu.memory_space<vmem>>) dst(%dma_wait3A_129 : memref<10240x16xf32, #tpu.memory_space<vmem_shared>>)
      %mul3A_130 = arith.constant 5 : i32
      %mul3A_131 = arith.muli %scan3A_51, %mul3A_130 : i32
      %add3A_132 = arith.constant 3 : i32
      %add3A_133 = arith.addi %mul3A_131, %add3A_132 : i32
      %dma_wait3A_134 = arith.constant 0 : i32
      %dma_wait3A_135 = tpu.memref_slice %arg11[%add3A_133, %dma_wait3A_134] : memref<125x80xi32, #tpu.memory_space<vmem>> -> memref<1x80xi32, #tpu.memory_space<vmem>>
      %dma_wait3A_136 = tpu.memref_squeeze %dma_wait3A_135 : memref<1x80xi32, #tpu.memory_space<vmem>> -> memref<80xi32, #tpu.memory_space<vmem>>
      %dma_wait3A_137 = arith.constant 0 : i32
      %dma_wait3A_138 = arith.constant 0 : i32
      %dma_wait3A_139 = tpu.memref_slice %arg7[%dma_wait3A_137, %dma_wait3A_138] : memref<10240x16xf32, #tpu.memory_space<vmem_shared>> -> memref<10240x16xf32, #tpu.memory_space<vmem_shared>>
      tpu.wait_indirect_dma semaphore(%arg12 : memref<!tpu.dma_semaphore, #tpu.memory_space<semaphore_mem>>) src(%arg10 : memref<80x16xf32, #tpu.memory_space<vmem>>) dst(%dma_wait3A_139 : memref<10240x16xf32, #tpu.memory_space<vmem_shared>>)
      %mul3A_140 = arith.constant 5 : i32
      %mul3A_141 = arith.muli %scan3A_51, %mul3A_140 : i32
      %add3A_142 = arith.constant 4 : i32
      %add3A_143 = arith.addi %mul3A_141, %add3A_142 : i32
      %dma_wait3A_144 = arith.constant 0 : i32
      %dma_wait3A_145 = tpu.memref_slice %arg11[%add3A_143, %dma_wait3A_144] : memref<125x80xi32, #tpu.memory_space<vmem>> -> memref<1x80xi32, #tpu.memory_space<vmem>>
      %dma_wait3A_146 = tpu.memref_squeeze %dma_wait3A_145 : memref<1x80xi32, #tpu.memory_space<vmem>> -> memref<80xi32, #tpu.memory_space<vmem>>
      %dma_wait3A_147 = arith.constant 0 : i32
      %dma_wait3A_148 = arith.constant 0 : i32
      %dma_wait3A_149 = tpu.memref_slice %arg7[%dma_wait3A_147, %dma_wait3A_148] : memref<10240x16xf32, #tpu.memory_space<vmem_shared>> -> memref<10240x16xf32, #tpu.memory_space<vmem_shared>>
      tpu.wait_indirect_dma semaphore(%arg12 : memref<!tpu.dma_semaphore, #tpu.memory_space<semaphore_mem>>) src(%arg10 : memref<80x16xf32, #tpu.memory_space<vmem>>) dst(%dma_wait3A_149 : memref<10240x16xf32, #tpu.memory_space<vmem_shared>>)
    }
    %scan3A_28 = arith.constant 25 : i32
    "tpu.region"() ({
      %run_scoped3A = tpu.sem_alloc : memref<!tpu.dma_semaphore, #tpu.memory_space<semaphore_mem>>
      %dma_start3A = arith.constant 0 : i32
      %dma_start3A_51 = arith.constant 0 : i32
      %dma_start3A_52 = tpu.memref_slice %arg2[%add3A, %dma_start3A, %dma_start3A_51] : memref<32x125x80xi32, #tpu.memory_space<hbm>> -> memref<1x125x80xi32, #tpu.memory_space<hbm>>
      %dma_start3A_53 = tpu.memref_squeeze %dma_start3A_52 : memref<1x125x80xi32, #tpu.memory_space<hbm>> -> memref<125x80xi32, #tpu.memory_space<hbm>>
      %dma_start3A_54 = arith.constant 0 : i32
      %dma_start3A_55 = arith.constant 0 : i32
      %dma_start3A_56 = tpu.memref_slice %arg2[%add3A, %dma_start3A_54, %dma_start3A_55] : memref<32x125x80xi32, #tpu.memory_space<hbm>> -> memref<1x125x80xi32, #tpu.memory_space<hbm>>
      %dma_start3A_57 = tpu.memref_squeeze %dma_start3A_56 : memref<1x125x80xi32, #tpu.memory_space<hbm>> -> memref<125x80xi32, #tpu.memory_space<hbm>>
      tpu.enqueue_dma source(%dma_start3A_57 : memref<125x80xi32, #tpu.memory_space<hbm>>) target(%arg11 : memref<125x80xi32, #tpu.memory_space<vmem>>) target_semaphore(%run_scoped3A : memref<!tpu.dma_semaphore, #tpu.memory_space<semaphore_mem>>)
      %dma_wait3A = arith.constant 0 : i32
      %dma_wait3A_58 = arith.constant 0 : i32
      %dma_wait3A_59 = tpu.memref_slice %arg2[%add3A, %dma_wait3A, %dma_wait3A_58] : memref<32x125x80xi32, #tpu.memory_space<hbm>> -> memref<1x125x80xi32, #tpu.memory_space<hbm>>
      %dma_wait3A_60 = tpu.memref_squeeze %dma_wait3A_59 : memref<1x125x80xi32, #tpu.memory_space<hbm>> -> memref<125x80xi32, #tpu.memory_space<hbm>>
      %dma_wait3A_61 = arith.constant 0 : i32
      %dma_wait3A_62 = arith.constant 0 : i32
      %dma_wait3A_63 = tpu.memref_slice %arg2[%add3A, %dma_wait3A_61, %dma_wait3A_62] : memref<32x125x80xi32, #tpu.memory_space<hbm>> -> memref<1x125x80xi32, #tpu.memory_space<hbm>>
      %dma_wait3A_64 = tpu.memref_squeeze %dma_wait3A_63 : memref<1x125x80xi32, #tpu.memory_space<hbm>> -> memref<125x80xi32, #tpu.memory_space<hbm>>
      tpu.wait_dma2 semaphore(%run_scoped3A : memref<!tpu.dma_semaphore, #tpu.memory_space<semaphore_mem>>) src(%dma_wait3A_64 : memref<125x80xi32, #tpu.memory_space<hbm>>) dst(%arg11 : memref<125x80xi32, #tpu.memory_space<vmem>>)
      tpu.yield
    }) : () -> ()
    %scan3A_29 = arith.constant 0 : i32
    %scan3A_30 = arith.constant 0 : i32
    %scan3A_31 = arith.constant 25 : i32
    %scan3A_32 = arith.addi %scan3A_30, %scan3A_31 : i32
    %scan3A_33 = arith.constant 1 : i32
    scf.for %scan3A_51 = %scan3A_30 to %scan3A_32 step %scan3A_33  : i32 {
      %mul3A_52 = arith.constant 5 : i32
      %mul3A_53 = arith.muli %scan3A_51, %mul3A_52 : i32
      %add3A_54 = arith.constant 0 : i32
      %add3A_55 = arith.addi %mul3A_53, %add3A_54 : i32
      %dma_start3A = arith.constant 0 : i32
      %dma_start3A_56 = tpu.memref_slice %arg11[%add3A_55, %dma_start3A] : memref<125x80xi32, #tpu.memory_space<vmem>> -> memref<1x80xi32, #tpu.memory_space<vmem>>
      %dma_start3A_57 = tpu.memref_squeeze %dma_start3A_56 : memref<1x80xi32, #tpu.memory_space<vmem>> -> memref<80xi32, #tpu.memory_space<vmem>>
      %dma_start3A_58 = arith.constant 0 : i32
      %dma_start3A_59 = arith.constant 0 : i32
      %dma_start3A_60 = tpu.memref_slice %arg8[%dma_start3A_58, %dma_start3A_59] : memref<10240x16xf32, #tpu.memory_space<vmem_shared>> -> memref<10240x16xf32, #tpu.memory_space<vmem_shared>>
      tpu.enqueue_indirect_dma source(%arg10 : memref<80x16xf32, #tpu.memory_space<vmem>>) target(%dma_start3A_60 : memref<10240x16xf32, #tpu.memory_space<vmem_shared>>) offsets(%dma_start3A_57 : memref<80xi32, #tpu.memory_space<vmem>>) semaphore(%arg12 : memref<!tpu.dma_semaphore, #tpu.memory_space<semaphore_mem>>) {add = true}
      %mul3A_61 = arith.constant 5 : i32
      %mul3A_62 = arith.muli %scan3A_51, %mul3A_61 : i32
      %add3A_63 = arith.constant 1 : i32
      %add3A_64 = arith.addi %mul3A_62, %add3A_63 : i32
      %dma_start3A_65 = arith.constant 0 : i32
      %dma_start3A_66 = tpu.memref_slice %arg11[%add3A_64, %dma_start3A_65] : memref<125x80xi32, #tpu.memory_space<vmem>> -> memref<1x80xi32, #tpu.memory_space<vmem>>
      %dma_start3A_67 = tpu.memref_squeeze %dma_start3A_66 : memref<1x80xi32, #tpu.memory_space<vmem>> -> memref<80xi32, #tpu.memory_space<vmem>>
      %dma_start3A_68 = arith.constant 0 : i32
      %dma_start3A_69 = arith.constant 0 : i32
      %dma_start3A_70 = tpu.memref_slice %arg8[%dma_start3A_68, %dma_start3A_69] : memref<10240x16xf32, #tpu.memory_space<vmem_shared>> -> memref<10240x16xf32, #tpu.memory_space<vmem_shared>>
      tpu.enqueue_indirect_dma source(%arg10 : memref<80x16xf32, #tpu.memory_space<vmem>>) target(%dma_start3A_70 : memref<10240x16xf32, #tpu.memory_space<vmem_shared>>) offsets(%dma_start3A_67 : memref<80xi32, #tpu.memory_space<vmem>>) semaphore(%arg12 : memref<!tpu.dma_semaphore, #tpu.memory_space<semaphore_mem>>) {add = true}
      %mul3A_71 = arith.constant 5 : i32
      %mul3A_72 = arith.muli %scan3A_51, %mul3A_71 : i32
      %add3A_73 = arith.constant 2 : i32
      %add3A_74 = arith.addi %mul3A_72, %add3A_73 : i32
      %dma_start3A_75 = arith.constant 0 : i32
      %dma_start3A_76 = tpu.memref_slice %arg11[%add3A_74, %dma_start3A_75] : memref<125x80xi32, #tpu.memory_space<vmem>> -> memref<1x80xi32, #tpu.memory_space<vmem>>
      %dma_start3A_77 = tpu.memref_squeeze %dma_start3A_76 : memref<1x80xi32, #tpu.memory_space<vmem>> -> memref<80xi32, #tpu.memory_space<vmem>>
      %dma_start3A_78 = arith.constant 0 : i32
      %dma_start3A_79 = arith.constant 0 : i32
      %dma_start3A_80 = tpu.memref_slice %arg8[%dma_start3A_78, %dma_start3A_79] : memref<10240x16xf32, #tpu.memory_space<vmem_shared>> -> memref<10240x16xf32, #tpu.memory_space<vmem_shared>>
      tpu.enqueue_indirect_dma source(%arg10 : memref<80x16xf32, #tpu.memory_space<vmem>>) target(%dma_start3A_80 : memref<10240x16xf32, #tpu.memory_space<vmem_shared>>) offsets(%dma_start3A_77 : memref<80xi32, #tpu.memory_space<vmem>>) semaphore(%arg12 : memref<!tpu.dma_semaphore, #tpu.memory_space<semaphore_mem>>) {add = true}
      %mul3A_81 = arith.constant 5 : i32
      %mul3A_82 = arith.muli %scan3A_51, %mul3A_81 : i32
      %add3A_83 = arith.constant 3 : i32
      %add3A_84 = arith.addi %mul3A_82, %add3A_83 : i32
      %dma_start3A_85 = arith.constant 0 : i32
      %dma_start3A_86 = tpu.memref_slice %arg11[%add3A_84, %dma_start3A_85] : memref<125x80xi32, #tpu.memory_space<vmem>> -> memref<1x80xi32, #tpu.memory_space<vmem>>
      %dma_start3A_87 = tpu.memref_squeeze %dma_start3A_86 : memref<1x80xi32, #tpu.memory_space<vmem>> -> memref<80xi32, #tpu.memory_space<vmem>>
      %dma_start3A_88 = arith.constant 0 : i32
      %dma_start3A_89 = arith.constant 0 : i32
      %dma_start3A_90 = tpu.memref_slice %arg8[%dma_start3A_88, %dma_start3A_89] : memref<10240x16xf32, #tpu.memory_space<vmem_shared>> -> memref<10240x16xf32, #tpu.memory_space<vmem_shared>>
      tpu.enqueue_indirect_dma source(%arg10 : memref<80x16xf32, #tpu.memory_space<vmem>>) target(%dma_start3A_90 : memref<10240x16xf32, #tpu.memory_space<vmem_shared>>) offsets(%dma_start3A_87 : memref<80xi32, #tpu.memory_space<vmem>>) semaphore(%arg12 : memref<!tpu.dma_semaphore, #tpu.memory_space<semaphore_mem>>) {add = true}
      %mul3A_91 = arith.constant 5 : i32
      %mul3A_92 = arith.muli %scan3A_51, %mul3A_91 : i32
      %add3A_93 = arith.constant 4 : i32
      %add3A_94 = arith.addi %mul3A_92, %add3A_93 : i32
      %dma_start3A_95 = arith.constant 0 : i32
      %dma_start3A_96 = tpu.memref_slice %arg11[%add3A_94, %dma_start3A_95] : memref<125x80xi32, #tpu.memory_space<vmem>> -> memref<1x80xi32, #tpu.memory_space<vmem>>
      %dma_start3A_97 = tpu.memref_squeeze %dma_start3A_96 : memref<1x80xi32, #tpu.memory_space<vmem>> -> memref<80xi32, #tpu.memory_space<vmem>>
      %dma_start3A_98 = arith.constant 0 : i32
      %dma_start3A_99 = arith.constant 0 : i32
      %dma_start3A_100 = tpu.memref_slice %arg8[%dma_start3A_98, %dma_start3A_99] : memref<10240x16xf32, #tpu.memory_space<vmem_shared>> -> memref<10240x16xf32, #tpu.memory_space<vmem_shared>>
      tpu.enqueue_indirect_dma source(%arg10 : memref<80x16xf32, #tpu.memory_space<vmem>>) target(%dma_start3A_100 : memref<10240x16xf32, #tpu.memory_space<vmem_shared>>) offsets(%dma_start3A_97 : memref<80xi32, #tpu.memory_space<vmem>>) semaphore(%arg12 : memref<!tpu.dma_semaphore, #tpu.memory_space<semaphore_mem>>) {add = true}
      %mul3A_101 = arith.constant 5 : i32
      %mul3A_102 = arith.muli %scan3A_51, %mul3A_101 : i32
      %add3A_103 = arith.constant 0 : i32
      %add3A_104 = arith.addi %mul3A_102, %add3A_103 : i32
      %dma_wait3A = arith.constant 0 : i32
      %dma_wait3A_105 = tpu.memref_slice %arg11[%add3A_104, %dma_wait3A] : memref<125x80xi32, #tpu.memory_space<vmem>> -> memref<1x80xi32, #tpu.memory_space<vmem>>
      %dma_wait3A_106 = tpu.memref_squeeze %dma_wait3A_105 : memref<1x80xi32, #tpu.memory_space<vmem>> -> memref<80xi32, #tpu.memory_space<vmem>>
      %dma_wait3A_107 = arith.constant 0 : i32
      %dma_wait3A_108 = arith.constant 0 : i32
      %dma_wait3A_109 = tpu.memref_slice %arg8[%dma_wait3A_107, %dma_wait3A_108] : memref<10240x16xf32, #tpu.memory_space<vmem_shared>> -> memref<10240x16xf32, #tpu.memory_space<vmem_shared>>
      tpu.wait_indirect_dma semaphore(%arg12 : memref<!tpu.dma_semaphore, #tpu.memory_space<semaphore_mem>>) src(%arg10 : memref<80x16xf32, #tpu.memory_space<vmem>>) dst(%dma_wait3A_109 : memref<10240x16xf32, #tpu.memory_space<vmem_shared>>)
      %mul3A_110 = arith.constant 5 : i32
      %mul3A_111 = arith.muli %scan3A_51, %mul3A_110 : i32
      %add3A_112 = arith.constant 1 : i32
      %add3A_113 = arith.addi %mul3A_111, %add3A_112 : i32
      %dma_wait3A_114 = arith.constant 0 : i32
      %dma_wait3A_115 = tpu.memref_slice %arg11[%add3A_113, %dma_wait3A_114] : memref<125x80xi32, #tpu.memory_space<vmem>> -> memref<1x80xi32, #tpu.memory_space<vmem>>
      %dma_wait3A_116 = tpu.memref_squeeze %dma_wait3A_115 : memref<1x80xi32, #tpu.memory_space<vmem>> -> memref<80xi32, #tpu.memory_space<vmem>>
      %dma_wait3A_117 = arith.constant 0 : i32
      %dma_wait3A_118 = arith.constant 0 : i32
      %dma_wait3A_119 = tpu.memref_slice %arg8[%dma_wait3A_117, %dma_wait3A_118] : memref<10240x16xf32, #tpu.memory_space<vmem_shared>> -> memref<10240x16xf32, #tpu.memory_space<vmem_shared>>
      tpu.wait_indirect_dma semaphore(%arg12 : memref<!tpu.dma_semaphore, #tpu.memory_space<semaphore_mem>>) src(%arg10 : memref<80x16xf32, #tpu.memory_space<vmem>>) dst(%dma_wait3A_119 : memref<10240x16xf32, #tpu.memory_space<vmem_shared>>)
      %mul3A_120 = arith.constant 5 : i32
      %mul3A_121 = arith.muli %scan3A_51, %mul3A_120 : i32
      %add3A_122 = arith.constant 2 : i32
      %add3A_123 = arith.addi %mul3A_121, %add3A_122 : i32
      %dma_wait3A_124 = arith.constant 0 : i32
      %dma_wait3A_125 = tpu.memref_slice %arg11[%add3A_123, %dma_wait3A_124] : memref<125x80xi32, #tpu.memory_space<vmem>> -> memref<1x80xi32, #tpu.memory_space<vmem>>
      %dma_wait3A_126 = tpu.memref_squeeze %dma_wait3A_125 : memref<1x80xi32, #tpu.memory_space<vmem>> -> memref<80xi32, #tpu.memory_space<vmem>>
      %dma_wait3A_127 = arith.constant 0 : i32
      %dma_wait3A_128 = arith.constant 0 : i32
      %dma_wait3A_129 = tpu.memref_slice %arg8[%dma_wait3A_127, %dma_wait3A_128] : memref<10240x16xf32, #tpu.memory_space<vmem_shared>> -> memref<10240x16xf32, #tpu.memory_space<vmem_shared>>
      tpu.wait_indirect_dma semaphore(%arg12 : memref<!tpu.dma_semaphore, #tpu.memory_space<semaphore_mem>>) src(%arg10 : memref<80x16xf32, #tpu.memory_space<vmem>>) dst(%dma_wait3A_129 : memref<10240x16xf32, #tpu.memory_space<vmem_shared>>)
      %mul3A_130 = arith.constant 5 : i32
      %mul3A_131 = arith.muli %scan3A_51, %mul3A_130 : i32
      %add3A_132 = arith.constant 3 : i32
      %add3A_133 = arith.addi %mul3A_131, %add3A_132 : i32
      %dma_wait3A_134 = arith.constant 0 : i32
      %dma_wait3A_135 = tpu.memref_slice %arg11[%add3A_133, %dma_wait3A_134] : memref<125x80xi32, #tpu.memory_space<vmem>> -> memref<1x80xi32, #tpu.memory_space<vmem>>
      %dma_wait3A_136 = tpu.memref_squeeze %dma_wait3A_135 : memref<1x80xi32, #tpu.memory_space<vmem>> -> memref<80xi32, #tpu.memory_space<vmem>>
      %dma_wait3A_137 = arith.constant 0 : i32
      %dma_wait3A_138 = arith.constant 0 : i32
      %dma_wait3A_139 = tpu.memref_slice %arg8[%dma_wait3A_137, %dma_wait3A_138] : memref<10240x16xf32, #tpu.memory_space<vmem_shared>> -> memref<10240x16xf32, #tpu.memory_space<vmem_shared>>
      tpu.wait_indirect_dma semaphore(%arg12 : memref<!tpu.dma_semaphore, #tpu.memory_space<semaphore_mem>>) src(%arg10 : memref<80x16xf32, #tpu.memory_space<vmem>>) dst(%dma_wait3A_139 : memref<10240x16xf32, #tpu.memory_space<vmem_shared>>)
      %mul3A_140 = arith.constant 5 : i32
      %mul3A_141 = arith.muli %scan3A_51, %mul3A_140 : i32
      %add3A_142 = arith.constant 4 : i32
      %add3A_143 = arith.addi %mul3A_141, %add3A_142 : i32
      %dma_wait3A_144 = arith.constant 0 : i32
      %dma_wait3A_145 = tpu.memref_slice %arg11[%add3A_143, %dma_wait3A_144] : memref<125x80xi32, #tpu.memory_space<vmem>> -> memref<1x80xi32, #tpu.memory_space<vmem>>
      %dma_wait3A_146 = tpu.memref_squeeze %dma_wait3A_145 : memref<1x80xi32, #tpu.memory_space<vmem>> -> memref<80xi32, #tpu.memory_space<vmem>>
      %dma_wait3A_147 = arith.constant 0 : i32
      %dma_wait3A_148 = arith.constant 0 : i32
      %dma_wait3A_149 = tpu.memref_slice %arg8[%dma_wait3A_147, %dma_wait3A_148] : memref<10240x16xf32, #tpu.memory_space<vmem_shared>> -> memref<10240x16xf32, #tpu.memory_space<vmem_shared>>
      tpu.wait_indirect_dma semaphore(%arg12 : memref<!tpu.dma_semaphore, #tpu.memory_space<semaphore_mem>>) src(%arg10 : memref<80x16xf32, #tpu.memory_space<vmem>>) dst(%dma_wait3A_149 : memref<10240x16xf32, #tpu.memory_space<vmem_shared>>)
    }
    %scan3A_34 = arith.constant 25 : i32
    %barrier3A_35 = arith.constant 0 : index
    tpu.barrier barrier_id(%barrier3A_35)
    "tpu.region"() ({
      %run_scoped3A = tpu.sem_alloc : memref<!tpu.dma_semaphore, #tpu.memory_space<semaphore_mem>>
      %dma_start3A = arith.constant 0 : i32
      %dma_start3A_51 = tpu.memref_slice %arg6[%mul3A_2, %dma_start3A] : memref<10240x16xf32, #tpu.memory_space<vmem_shared>> -> memref<640x16xf32, #tpu.memory_space<vmem_shared>>
      %dma_start3A_52 = arith.constant 0 : i32
      %dma_start3A_53 = tpu.memref_slice %arg6[%mul3A_2, %dma_start3A_52] : memref<10240x16xf32, #tpu.memory_space<vmem_shared>> -> memref<640x16xf32, #tpu.memory_space<vmem_shared>>
      tpu.enqueue_dma source(%dma_start3A_53 : memref<640x16xf32, #tpu.memory_space<vmem_shared>>) target(%arg9 : memref<640x16xf32, #tpu.memory_space<vmem>>) target_semaphore(%run_scoped3A : memref<!tpu.dma_semaphore, #tpu.memory_space<semaphore_mem>>)
      %dma_wait3A = arith.constant 0 : i32
      %dma_wait3A_54 = tpu.memref_slice %arg6[%mul3A_2, %dma_wait3A] : memref<10240x16xf32, #tpu.memory_space<vmem_shared>> -> memref<640x16xf32, #tpu.memory_space<vmem_shared>>
      %dma_wait3A_55 = arith.constant 0 : i32
      %dma_wait3A_56 = tpu.memref_slice %arg6[%mul3A_2, %dma_wait3A_55] : memref<10240x16xf32, #tpu.memory_space<vmem_shared>> -> memref<640x16xf32, #tpu.memory_space<vmem_shared>>
      tpu.wait_dma2 semaphore(%run_scoped3A : memref<!tpu.dma_semaphore, #tpu.memory_space<semaphore_mem>>) src(%dma_wait3A_56 : memref<640x16xf32, #tpu.memory_space<vmem_shared>>) dst(%arg9 : memref<640x16xf32, #tpu.memory_space<vmem>>)
      tpu.yield
    }) : () -> ()
    %add3A_36 = arith.constant 0 : i32
    %add3A_37 = arith.addi %add3A_36, %arg0 : i32
    %mul3A_38 = arith.constant 10240 : i32
    %mul3A_39 = arith.muli %add3A_37, %mul3A_38 : i32
    %add3A_40 = arith.addi %mul3A_39, %mul3A_2 : i32
    "tpu.region"() ({
      %run_scoped3A = tpu.sem_alloc : memref<!tpu.dma_semaphore, #tpu.memory_space<semaphore_mem>>
      %dma_start3A = arith.constant 0 : i32
      %dma_start3A_51 = tpu.memref_slice %arg5[%add3A_40, %dma_start3A] : memref<61440x16xf32, #tpu.memory_space<hbm>> -> memref<640x16xf32, #tpu.memory_space<hbm>>
      %dma_start3A_52 = arith.constant 0 : i32
      %dma_start3A_53 = tpu.memref_slice %arg5[%add3A_40, %dma_start3A_52] : memref<61440x16xf32, #tpu.memory_space<hbm>> -> memref<640x16xf32, #tpu.memory_space<hbm>>
      tpu.enqueue_dma source(%arg9 : memref<640x16xf32, #tpu.memory_space<vmem>>) target(%dma_start3A_53 : memref<640x16xf32, #tpu.memory_space<hbm>>) target_semaphore(%run_scoped3A : memref<!tpu.dma_semaphore, #tpu.memory_space<semaphore_mem>>)
      %dma_wait3A = arith.constant 0 : i32
      %dma_wait3A_54 = tpu.memref_slice %arg5[%add3A_40, %dma_wait3A] : memref<61440x16xf32, #tpu.memory_space<hbm>> -> memref<640x16xf32, #tpu.memory_space<hbm>>
      %dma_wait3A_55 = arith.constant 0 : i32
      %dma_wait3A_56 = tpu.memref_slice %arg5[%add3A_40, %dma_wait3A_55] : memref<61440x16xf32, #tpu.memory_space<hbm>> -> memref<640x16xf32, #tpu.memory_space<hbm>>
      tpu.wait_dma2 semaphore(%run_scoped3A : memref<!tpu.dma_semaphore, #tpu.memory_space<semaphore_mem>>) src(%arg9 : memref<640x16xf32, #tpu.memory_space<vmem>>) dst(%dma_wait3A_56 : memref<640x16xf32, #tpu.memory_space<hbm>>)
      tpu.yield
    }) : () -> ()
    "tpu.region"() ({
      %run_scoped3A = tpu.sem_alloc : memref<!tpu.dma_semaphore, #tpu.memory_space<semaphore_mem>>
      %dma_start3A = arith.constant 0 : i32
      %dma_start3A_51 = tpu.memref_slice %arg7[%mul3A_2, %dma_start3A] : memref<10240x16xf32, #tpu.memory_space<vmem_shared>> -> memref<640x16xf32, #tpu.memory_space<vmem_shared>>
      %dma_start3A_52 = arith.constant 0 : i32
      %dma_start3A_53 = tpu.memref_slice %arg7[%mul3A_2, %dma_start3A_52] : memref<10240x16xf32, #tpu.memory_space<vmem_shared>> -> memref<640x16xf32, #tpu.memory_space<vmem_shared>>
      tpu.enqueue_dma source(%dma_start3A_53 : memref<640x16xf32, #tpu.memory_space<vmem_shared>>) target(%arg9 : memref<640x16xf32, #tpu.memory_space<vmem>>) target_semaphore(%run_scoped3A : memref<!tpu.dma_semaphore, #tpu.memory_space<semaphore_mem>>)
      %dma_wait3A = arith.constant 0 : i32
      %dma_wait3A_54 = tpu.memref_slice %arg7[%mul3A_2, %dma_wait3A] : memref<10240x16xf32, #tpu.memory_space<vmem_shared>> -> memref<640x16xf32, #tpu.memory_space<vmem_shared>>
      %dma_wait3A_55 = arith.constant 0 : i32
      %dma_wait3A_56 = tpu.memref_slice %arg7[%mul3A_2, %dma_wait3A_55] : memref<10240x16xf32, #tpu.memory_space<vmem_shared>> -> memref<640x16xf32, #tpu.memory_space<vmem_shared>>
      tpu.wait_dma2 semaphore(%run_scoped3A : memref<!tpu.dma_semaphore, #tpu.memory_space<semaphore_mem>>) src(%dma_wait3A_56 : memref<640x16xf32, #tpu.memory_space<vmem_shared>>) dst(%arg9 : memref<640x16xf32, #tpu.memory_space<vmem>>)
      tpu.yield
    }) : () -> ()
    %add3A_41 = arith.constant 2 : i32
    %add3A_42 = arith.addi %add3A_41, %arg0 : i32
    %mul3A_43 = arith.constant 10240 : i32
    %mul3A_44 = arith.muli %add3A_42, %mul3A_43 : i32
    %add3A_45 = arith.addi %mul3A_44, %mul3A_2 : i32
    "tpu.region"() ({
      %run_scoped3A = tpu.sem_alloc : memref<!tpu.dma_semaphore, #tpu.memory_space<semaphore_mem>>
      %dma_start3A = arith.constant 0 : i32
      %dma_start3A_51 = tpu.memref_slice %arg5[%add3A_45, %dma_start3A] : memref<61440x16xf32, #tpu.memory_space<hbm>> -> memref<640x16xf32, #tpu.memory_space<hbm>>
      %dma_start3A_52 = arith.constant 0 : i32
      %dma_start3A_53 = tpu.memref_slice %arg5[%add3A_45, %dma_start3A_52] : memref<61440x16xf32, #tpu.memory_space<hbm>> -> memref<640x16xf32, #tpu.memory_space<hbm>>
      tpu.enqueue_dma source(%arg9 : memref<640x16xf32, #tpu.memory_space<vmem>>) target(%dma_start3A_53 : memref<640x16xf32, #tpu.memory_space<hbm>>) target_semaphore(%run_scoped3A : memref<!tpu.dma_semaphore, #tpu.memory_space<semaphore_mem>>)
      %dma_wait3A = arith.constant 0 : i32
      %dma_wait3A_54 = tpu.memref_slice %arg5[%add3A_45, %dma_wait3A] : memref<61440x16xf32, #tpu.memory_space<hbm>> -> memref<640x16xf32, #tpu.memory_space<hbm>>
      %dma_wait3A_55 = arith.constant 0 : i32
      %dma_wait3A_56 = tpu.memref_slice %arg5[%add3A_45, %dma_wait3A_55] : memref<61440x16xf32, #tpu.memory_space<hbm>> -> memref<640x16xf32, #tpu.memory_space<hbm>>
      tpu.wait_dma2 semaphore(%run_scoped3A : memref<!tpu.dma_semaphore, #tpu.memory_space<semaphore_mem>>) src(%arg9 : memref<640x16xf32, #tpu.memory_space<vmem>>) dst(%dma_wait3A_56 : memref<640x16xf32, #tpu.memory_space<hbm>>)
      tpu.yield
    }) : () -> ()
    "tpu.region"() ({
      %run_scoped3A = tpu.sem_alloc : memref<!tpu.dma_semaphore, #tpu.memory_space<semaphore_mem>>
      %dma_start3A = arith.constant 0 : i32
      %dma_start3A_51 = tpu.memref_slice %arg8[%mul3A_2, %dma_start3A] : memref<10240x16xf32, #tpu.memory_space<vmem_shared>> -> memref<640x16xf32, #tpu.memory_space<vmem_shared>>
      %dma_start3A_52 = arith.constant 0 : i32
      %dma_start3A_53 = tpu.memref_slice %arg8[%mul3A_2, %dma_start3A_52] : memref<10240x16xf32, #tpu.memory_space<vmem_shared>> -> memref<640x16xf32, #tpu.memory_space<vmem_shared>>
      tpu.enqueue_dma source(%dma_start3A_53 : memref<640x16xf32, #tpu.memory_space<vmem_shared>>) target(%arg9 : memref<640x16xf32, #tpu.memory_space<vmem>>) target_semaphore(%run_scoped3A : memref<!tpu.dma_semaphore, #tpu.memory_space<semaphore_mem>>)
      %dma_wait3A = arith.constant 0 : i32
      %dma_wait3A_54 = tpu.memref_slice %arg8[%mul3A_2, %dma_wait3A] : memref<10240x16xf32, #tpu.memory_space<vmem_shared>> -> memref<640x16xf32, #tpu.memory_space<vmem_shared>>
      %dma_wait3A_55 = arith.constant 0 : i32
      %dma_wait3A_56 = tpu.memref_slice %arg8[%mul3A_2, %dma_wait3A_55] : memref<10240x16xf32, #tpu.memory_space<vmem_shared>> -> memref<640x16xf32, #tpu.memory_space<vmem_shared>>
      tpu.wait_dma2 semaphore(%run_scoped3A : memref<!tpu.dma_semaphore, #tpu.memory_space<semaphore_mem>>) src(%dma_wait3A_56 : memref<640x16xf32, #tpu.memory_space<vmem_shared>>) dst(%arg9 : memref<640x16xf32, #tpu.memory_space<vmem>>)
      tpu.yield
    }) : () -> ()
    %add3A_46 = arith.constant 4 : i32
    %add3A_47 = arith.addi %add3A_46, %arg0 : i32
    %mul3A_48 = arith.constant 10240 : i32
    %mul3A_49 = arith.muli %add3A_47, %mul3A_48 : i32
    %add3A_50 = arith.addi %mul3A_49, %mul3A_2 : i32
    "tpu.region"() ({
      %run_scoped3A = tpu.sem_alloc : memref<!tpu.dma_semaphore, #tpu.memory_space<semaphore_mem>>
      %dma_start3A = arith.constant 0 : i32
      %dma_start3A_51 = tpu.memref_slice %arg5[%add3A_50, %dma_start3A] : memref<61440x16xf32, #tpu.memory_space<hbm>> -> memref<640x16xf32, #tpu.memory_space<hbm>>
      %dma_start3A_52 = arith.constant 0 : i32
      %dma_start3A_53 = tpu.memref_slice %arg5[%add3A_50, %dma_start3A_52] : memref<61440x16xf32, #tpu.memory_space<hbm>> -> memref<640x16xf32, #tpu.memory_space<hbm>>
      tpu.enqueue_dma source(%arg9 : memref<640x16xf32, #tpu.memory_space<vmem>>) target(%dma_start3A_53 : memref<640x16xf32, #tpu.memory_space<hbm>>) target_semaphore(%run_scoped3A : memref<!tpu.dma_semaphore, #tpu.memory_space<semaphore_mem>>)
      %dma_wait3A = arith.constant 0 : i32
      %dma_wait3A_54 = tpu.memref_slice %arg5[%add3A_50, %dma_wait3A] : memref<61440x16xf32, #tpu.memory_space<hbm>> -> memref<640x16xf32, #tpu.memory_space<hbm>>
      %dma_wait3A_55 = arith.constant 0 : i32
      %dma_wait3A_56 = tpu.memref_slice %arg5[%add3A_50, %dma_wait3A_55] : memref<61440x16xf32, #tpu.memory_space<hbm>> -> memref<640x16xf32, #tpu.memory_space<hbm>>
      tpu.wait_dma2 semaphore(%run_scoped3A : memref<!tpu.dma_semaphore, #tpu.memory_space<semaphore_mem>>) src(%arg9 : memref<640x16xf32, #tpu.memory_space<vmem>>) dst(%dma_wait3A_56 : memref<640x16xf32, #tpu.memory_space<hbm>>)
      tpu.yield
    }) : () -> ()
    return
  }
}

</mosaic_0001>

<sc_bundles>
// kernel: _sc_counts.3.cloned.1.call-start
scs
__scs_entry_jumppad:
0x0: {  	(pc) =	sbr.rel $0x88, $3  }
0x1: {  	(tag) =	ssettag $0x0;
	lr =	simm.s32 $0x1  }
0x2: {  	[smem:$0x3F9E] =	sst lr;
	_ =	strace $0xD0000000  }
0x3: {  	_ = 	snop  }
0x4: {  	_ = 	snop  }
0x5: {  	_ = 	snop  }
0x6: {  	_ = 	snop  }
0x7: {  	_ = 	snop  }
__scs_overlays_trampoline_lowered:
0x8: {  	[smem:$0x3FAD] =	sst s0  }
0x9: {  	[smem:$0x3FAE] =	sst s1  }
0xa: {  	[smem:$0x3FAF] =	sst s2  }
0xb: {  	[smem:$0x3FB0] =	sst s3  }
0xc: {  	[smem:$0x3FB1] =	sst s4  }
0xd: {  	[smem:$0x3FB2] =	sst s5  }
0xe: {  	[smem:$0x3FB3] =	sst s6  }
0xf: {  	[smem:$0x3FB4] =	sst s7  }
0x10: {  	[smem:$0x3FB5] =	sst s8  }
0x11: {  	[smem:$0x3FB6] =	sst s9;
	s0 =	simm.s32 @!p0 $0x0  }
0x12: {  	s1 =	sld [smem:$0x3F9C];
	s0 =	simm.s32 @p0 $0x1  }
0x13: {  	[smem:$0x3FB7] =	sst s0;
	s0 =	simm.s32 @!p1 $0x0  }
0x14: {  	s2 =	sld [smem:$0x3F9B];
	s0 =	simm.s32 @p1 $0x1  }
0x15: {  	[smem:$0x3FB8] =	sst s0;
	s0 =	simm.s32 @!p2 $0x0  }
0x16: {  	s3 =	sld [smem:$0x3FDB];
	s0 =	simm.s32 @p2 $0x1  }
0x17: {  	s4 =	simm.s32 $0x1BF5;
	[smem:$0x3FBA] =	sst s0  }
0x18: {  	s0 =	sld [smem:$0x3F9D];
	_ =	swait.ge [sflag:s4], $0x0  }
0x19: {  	s7 =	sld [smem:$0x3F9E]  }
0x1a: {  	s8 =	sadd.s32 $0xFFFFE003, lr  }
0x1b: {  	s9 =	sadd.s32 $0xFFFFFEF7, lr;
	s5 =	simm.s32 $0xFFFFFFFF;
	p2 =	slt.u32 s8, $0xFFFFF086  }
0x1c: {  	p1 =	slt.u32 s9, $0xF7A;
	s5 =	simm.s32 @!p2 $0x0  }
0x1d: {  	s5 =	simm.s32 @p1 $0x1;
	p0 =	seq.s32 s7, s2  }
0x1e: {  	s7 =	smul.u32 @!p0 $0xF7A, s2;
	p2 =	seq.s32 @!p0 s5, $0x0  }
0x1f: {  	s9 =	smul.u32 $0xF7A, s1;
	s8 =	simm.s32 @!p0 $0x1BF5;
	p2 =	por !p2, p0  }
0x20: {  	[sflag:s8] =	ssyncset.s32 @!p0 $0xFFFFF086;
	s6 =	sadd.s32 @!p0 s3, s7;
	s7 =	simm.s32 @!p0 $0x108  }
0x21: {  	s3 =	sadd.s32 s3, s9;
	s6 =	sadd.s32 @!p0 $0x88, s6;
	s7 =	simm.s32 @p2 $0x1082  }
0x22: {  	[simem:s7], [sflag:s8] =	dma.local @!p0 [hbm:s6], $0xF7A  }
0x23: {  	s9 =	sor.u32 $0xD0000000, s2;
	s6 =	simm.s32 $0x108;
	_ =	swait.ge @!p0 [sflag:s8], $0x0  }
0x24: {  	s3 =	sadd.s32 $0x88, s3;
	s6 =	simm.s32 @!p1 $0x1082;
	[sflag:s4] =	ssyncset.s32 $0xFFFFF086  }
0x25: {  	[simem:s6], [sflag:s4] =	dma.local [hbm:s3], $0xF7A  }
0x26: {  	[smem:$0x3F9E] =	sst s1;
	(tag) =	ssettag s2;
	_ =	strace s9  }
0x27: {  	s1 =	sld [smem:$0x3FAE]  }
0x28: {  	s2 =	sld [smem:$0x3FAF]  }
0x29: {  	s4 =	sld [smem:$0x3FB1]  }
0x2a: {  	p0 =	seq.s32 s5, $0x0;
	s5 =	sld [smem:$0x3FB2]  }
0x2b: {  	s6 =	sld [smem:$0x3FB3]  }
0x2c: {  	s7 =	sld [smem:$0x3FB4]  }
0x2d: {  	s3 =	simm.s32 $0x108;
	s8 =	sld [smem:$0x3FB5]  }
0x2e: {  	s3 =	simm.s32 @!p0 $0x1082;
	s9 =	sld [smem:$0x3FB6]  }
0x2f: {  	lr =	sadd.s32 s0, s3;
	s0 =	sld [smem:$0x3FAD]  }
0x30: {  	s3 =	sld [smem:$0x3FB0]  }
0x31: {  	[smem:$0x3FB9] =	sst s10  }
0x32: {  	s10 =	sld [smem:$0x3FB7];
	_ =	sdelay $0x3  }
0x33: {  	p0 =	seq.s32 s10, $0x1;
	s10 =	sld [smem:$0x3FB9];
	_ =	sdelay $0x3  }
0x34: {  	[smem:$0x3FB9] =	sst s10  }
0x35: {  	s10 =	sld [smem:$0x3FB8];
	_ =	sdelay $0x3  }
0x36: {  	p1 =	seq.s32 s10, $0x1;
	s10 =	sld [smem:$0x3FB9];
	_ =	sdelay $0x3  }
0x37: {  	[smem:$0x3FB9] =	sst s10  }
0x38: {  	s10 =	sld [smem:$0x3FBA]  }
0x39: {  	_ = 	snop;
	(pc) =	sbr.ind lr, $3  }
0x3a: {  	_ = 	snop  }
0x3b: {  	_ = 	snop  }
0x3c: {  	p2 =	seq.s32 s10, $0x1;
	s10 =	sld [smem:$0x3FB9]  }
0x3d: {  	_ =	shalt  }
0x3e: {  	_ =	shalt  }
0x3f: {  	_ =	shalt  }
0x40: {  	_ =	shalt  }
0x41: {  	_ =	shalt  }
0x42: {  	_ =	shalt  }
0x43: {  	_ =	shalt  }
0x44: {  	_ =	shalt  }
0x45: {  	_ =	shalt  }
0x46: {  	_ =	shalt  }
0x47: {  	_ =	shalt  }
0x48: {  	_ =	shalt  }
0x49: {  	_ =	shalt  }
0x4a: {  	_ =	shalt  }
0x4b: {  	_ =	shalt  }
0x4c: {  	_ =	shalt  }
0x4d: {  	_ =	shalt  }
0x4e: {  	_ =	shalt  }
0x4f: {  	_ =	shalt  }
0x50: {  	_ =	shalt  }
0x51: {  	_ =	shalt  }
0x52: {  	_ =	shalt  }
0x53: {  	_ =	shalt  }
0x54: {  	_ =	shalt  }
0x55: {  	_ =	shalt  }
0x56: {  	_ =	shalt  }
0x57: {  	_ =	shalt  }
0x58: {  	_ =	shalt  }
0x59: {  	_ =	shalt  }
0x5a: {  	_ =	shalt  }
0x5b: {  	_ =	shalt  }
0x5c: {  	_ =	shalt  }
0x5d: {  	_ =	shalt  }
0x5e: {  	_ =	shalt  }
0x5f: {  	_ =	shalt  }
0x60: {  	_ =	shalt  }
0x61: {  	_ =	shalt  }
0x62: {  	_ =	shalt  }
0x63: {  	_ =	shalt  }
0x64: {  	_ =	shalt  }
0x65: {  	_ =	shalt  }
0x66: {  	_ =	shalt  }
0x67: {  	_ =	shalt  }
0x68: {  	_ =	shalt  }
0x69: {  	_ =	shalt  }
0x6a: {  	_ =	shalt  }
0x6b: {  	_ =	shalt  }
0x6c: {  	_ =	shalt  }
0x6d: {  	_ =	shalt  }
0x6e: {  	_ =	shalt  }
0x6f: {  	_ =	shalt  }
0x70: {  	_ =	shalt  }
0x71: {  	_ =	shalt  }
0x72: {  	_ =	shalt  }
0x73: {  	_ =	shalt  }
0x74: {  	_ =	shalt  }
0x75: {  	_ =	shalt  }
0x76: {  	_ =	shalt  }
0x77: {  	_ =	shalt  }
0x78: {  	_ =	shalt  }
0x79: {  	_ =	shalt  }
0x7a: {  	_ =	shalt  }
0x7b: {  	_ =	shalt  }
0x7c: {  	_ =	shalt  }
0x7d: {  	_ =	shalt  }
0x7e: {  	_ =	shalt  }
0x7f: {  	_ =	shalt  }
0x80: {  	_ =	shalt  }
0x81: {  	_ =	shalt  }
0x82: {  	_ =	shalt  }
0x83: {  	_ =	shalt  }
0x84: {  	_ =	shalt  }
0x85: {  	_ =	shalt  }
0x86: {  	_ =	shalt  }
0x87: {  	_ =	shalt  }
.Lfunc_end0:
.L_simem_size_0:
called_computation_lowered:
.L_overlay_start_0:
0x88: {  	s2 =	sld [smem:$0x3FD9]  }
0x89: {  	s3 =	sld [smem:$0x3FFE];
	_ =	sdelay $0x1  }
0x8a: {  	s1 =	srdreg.scid  }
0x8b: {  	s0 =	sand.u32 $0x1, s1  }
0x8c: {  	s17 =	sshll.u32 s0, $0xA;
	s2 =	sadd.s32 s3, s2  }
0x8d: {  	s2 =	sadd.s32 s2, s17  }
0x8e: {  	[smem:$0x3FC5] =	sst s2  }
0x8f: {  	_ = 	snop  }
0x90: {  	s2 =	sld [smem:$0x3FD0];
	(tm) =	ssettm $0x1  }
0x91: {  	s18 =	sld [smem:$0x3FFB];
	_ =	sdelay $0x3  }
0x92: {  	_ =	strace s18  }
0x93: {  	s3 =	sld [smem:$0x3FFC];
	_ =	sdelay $0x3  }
0x94: {  	_ =	strace s3  }
0x95: {  	s3 =	sld [smem:$0x3FFD];
	_ =	sdelay $0x3  }
0x96: {  	_ =	strace s3  }
0x97: {  	_ =	strace $0x8FFFFFFF  }
0x98: {  	s19 =	sld [smem:$0x3FDB];
	_ =	sdelay $0x1  }
0x99: {  	s4 =	simm.s32 $_scs_section_size  }
0x9a: {  	s5 =	simm.s32 $_size__tile_overlayer_lowered;
	s6 =	simm.s32 $_tile_overlayer_lowered  }
0x9b: {  	s22 =	simm.s32 $0x1BFF;
	s21 =	sshll.u32 s6, $0x1;
	s3 =	sadd.s32 s4, s19  }
0x9c: {  	s7 =	simm.s32 $0x0;
	s20 =	sshll.u32 s5, $0x1;
	s5 =	sadd.s32 s21, s3  }
0x9d: {  	[timem:s7], [sflag:s22] =	dma.local [hbm:s5], s20  }
0x9e: {  	_ =	swait.ge [sflag:s22], s20  }
0x9f: {  	s4 =	ssub.s32 $0x0, s20;
	[sflag:s22] =	ssyncset.done $0x0  }
0xa0: {  	[sflag:s22] =	ssyncadd.s32 s4;
	_ =	sdelay $0x1  }
0xa1: {  	s23 =	simm.s32 $0x1B8B  }
0xa2: {  	_ =	swait.ge [sflag:s23], $0x1  }
0xa3: {  	[sflag:s23] =	ssyncset.done $0x0  }
0xa4: {  	s25 =	simm.s32 $0x1B8E;
	s24 =	sld [smem:$0x3FFE];
	[sflag:s23] =	ssyncadd.s32 $0xFFFFFFFF  }
0xa5: {  	s26 =	simm.s32 $execute0_lowered;
	[smem:$0x3FD2] =	sst s25  }
0xa6: {  	s5 =	sshll.u32 s26, $0x1;
	_ =	strace $0x80000046;
	[dreg:$0x1] =	wrdreg $0xFFFFFFFF  }
0xa7: {  	s28 =	simm.s32 $_size_execute0_lowered;
	s3 =	sadd.s32 s3, s5;
	[dreg:$0x0] =	wrdreg $0x0  }
0xa8: {  	s5 =	sshll.u32 s28, $0x1;
	[dreg:$0x2] =	wrdreg s3  }
0xa9: {  	[dreg:$0x3] =	wrdreg s5  }
0xaa: {  	[dreg:$0x4] =	wrdreg $0xC0  }
0xab: {  	_ =	task [dreg:s7], $0x5FFFF  }
0xac: {  	[dreg:$0x1] =	wrdreg $0xFFFFFFFF  }
0xad: {  	[dreg:$0x0] =	wrdreg $0x60  }
0xae: {  	[dreg:$0x2] =	wrdreg s24  }
0xaf: {  	[dreg:$0x3] =	wrdreg s2  }
0xb0: {  	[dreg:$0x4] =	wrdreg $0x0  }
0xb1: {  	[dreg:$0x5] =	wrdreg $0x28000  }
0xb2: {  	[dreg:$0x6] =	wrdreg $0x50000  }
0xb3: {  	[dreg:$0x7] =	wrdreg $0x9  }
0xb4: {  	_ =	task.clear_ibuf [dreg:s7], $0x8FFFF;
	_ =	strace $0x90000046  }
0xb5: {  	s29 =	simm.s32 $0x9;
	_ =	strace $0x80000048  }
0xb6: {  	_ =	swait.ge [sflag:s29], $0x1  }
0xb7: {  	[sflag:s29] =	ssyncadd.s32 $0xFFFFFFFF  }
0xb8: {  	_ =	strace $0x90000048  }
0xb9: {  	_ =	sfence  }
0xba: {  	s30 =	sld [smem:$0x0];
	_ =	sdelay $0x2  }
0xbb: {  	s31 =	sshll.u32 s1, $0xD;
	s1 =	sshrl.u32 s1, $0x2  }
0xbc: {  	s3 =	sand.u32 $0x4000, s31;
	s1 =	sadd.s32 s1, s30  }
0xbd: {  	s0 =	sor.u32 s3, s0;
	s1 =	sshll.u32 s1, $0x11  }
0xbe: {  	s0 =	sor.u32 s1, s0  }
0xbf: {  	s0 =	sadd.s32 $0x8F2B, s0  }
0xc0: {  	[sflag:s0] =	ssyncadd.remote.s32 $0x1  }
0xc1: {  	_ =	sfence.sel $0xFFFF  }
0xc2: {  	[dreg:$0x0] =	wrdreg $0xFFFFFFFF;
	(pc) =	sbr.abs _section_cstart, $3  }
0xc3: {  	[dreg:$0x1] =	wrdreg $0xFFFFFFFF  }
0xc4: {  	_ =	task.clear_ibuf [dreg:s7], $0x2FFFF;
	_ =	strace $0x9FFFFFFF  }
0xc5: {  	(tm) =	ssettm $0x7FFFFFFF  }
tec
execute0_lowered:
.L_overlay_start_1:
0x0: {  	(tag) =	ssettag $0x1  }
0x1: {  	s6 =	rddreg [dreg:$0x0]  }
0x2: {  	s10 =	rddreg [dreg:$0x1]  }
0x3: {  	s1 =	rddreg [dreg:$0x2]  }
0x4: {  	s0 =	srdreg.scid;
	s3 =	rddreg [dreg:$0x3]  }
0x5: {  	s4 =	rddreg [dreg:$0x4];
	s5 =	simm.s32 $0x0;
	s16 =	simm.s32 $0x7800  }
0x6: {  	s17 =	simm.s32 $0x2;
	s18 =	simm.s32 $0xA500;
	s19 =	simm.s32 $0x50  }
0x7: {  	s20 =	simm.s32 $0xA000;
	s7 =	sand.u32 $0x1, s0;
	s0 =	stileid.u32  }
0x8: {  	s21 =	simm.s32 $0x1;
	s22 =	simm.s32 $0x0;
	s9 =	smul.u32 $0x280, s0  }
0x9: {  	s2 =	sshll.u32 s7, $0x4;
	s11 =	ssub.s32 $0x2, s7;
	s7 =	smul.u32 $0x2800, s7  }
0xa: {  	[smem:$0x7FF] =	sst s5;
	s13 =	smul.u32 $0x2800, s0;
	s2 =	sor.u32 s0, s2  }
0xb: {  	s12 =	sshrl.u32 s11, $0x1;
	s8 =	smul.u32 $0x4E2, s2;
	s2 =	rddreg [dreg:$0x5]  }
0xc: {  	_ =	strace $0x80000047;
	s15 =	ssub.s32 s11, s12;
	s30 =	sadd.s32 s9, s7  }
0xd: {  	s7 =	sadd.s32 s13, s3;
	s31 =	sshll.u32 s30, $0x1;
	s15 =	smax.u32 s15, $0x1  }
0xe: {  	s14 =	sadd.s32 s8, s6;
	s6 =	sadd.s32 s13, s1;
	s8 =	sadd.s32 s13, s4  }
0xf: {  	s10 =	sadd.s32 s10, s31;
	s9 =	sadd.s32 $0xA600, s14;
	s11 =	sadd.s32 $0x14400, s14  }
0x10: {  	v0 =	vimm.f32 $0.0e+00;
	v1 =	vimm.f32 $1.000000000e+00;
	s12 =	sadd.s32 $0x800, s14;
	s13 =	sadd.s32 $0xA000, s10;
	s14 =	sadd.s32 $0x14000, s10  }
.LBB2_1:
0x11: {  	s23 =	simm.s32 $0x0  }
.LBB2_2:
0x12: {  	p0 =	sne.s32 s23, $0x9FC0  }
.Ltmp0:
0x13: {  	_ = 	snop;
	(pc) =	sbr.rel @p0 .LBB2_2-.Ltmp0, $3  }
0x14: {  	_ =	sdelay $0x1  }
0x15: {  	s24 =	sshra.s32 s23, $0x2  }
0x16: {  	s23 =	sadd.s32 $0x40, s23;
	[tilespmem:s24+$0x7800] =	vst v0  }
0x17: {  	s23 =	simm.s32 $0x40;
	s24 =	simm.s32 $0x0  }
.LBB2_4:
0x18: {  	p0 =	sne.s32 s23, $0x13C0;
	[tilespmem:s24+$0xA000] =	vst v1;
	s24 =	smov.u32 s23;
	s23 =	sadd.s32 $0x40, s23  }
.Ltmp1:
0x19: {  	(pc) =	sbr.rel @p0 .LBB2_4-.Ltmp1, $2  }
0x1a: {  	_ =	sdelay $0x2  }
0x1b: {  	s24 =	sshra.s32 s24, $0x2  }
0x1c: {  	[tilespmem:s24+$0xA000] =	vst v1  }
0x1d: {  	[spmem:s6] =	stream.linear.scatter [tilespmem:s16], [sflag:$0x2], $0x2800, $0x38;
	[tilespmem:$0xCC10] =	vst v63  }
0x1e: {  	_ =	swait.ge [sflag:s17], $0x2800  }
0x1f: {  	[sflag:s17] =	ssyncset.done $0x0  }
0x20: {  	[sflag:s17] =	ssyncadd.s32 $0xFFFFD800  }
0x21: {  	[spmem:s7] =	stream.linear.scatter [tilespmem:s16], [sflag:$0x2], $0x2800, $0x38;
	[tilespmem:$0xCC10] =	vst v63  }
0x22: {  	_ =	swait.ge [sflag:s17], $0x2800  }
0x23: {  	[sflag:s17] =	ssyncset.done $0x0  }
0x24: {  	[sflag:s17] =	ssyncadd.s32 $0xFFFFD800  }
0x25: {  	[spmem:s8] =	stream.linear.scatter [tilespmem:s16], [sflag:$0x2], $0x2800, $0x38;
	[tilespmem:$0xCC10] =	vst v63  }
0x26: {  	_ =	swait.ge [sflag:s17], $0x2800  }
0x27: {  	[sflag:s17] =	ssyncset.done $0x0  }
0x28: {  	[sflag:s17] =	ssyncadd.s32 $0xFFFFD800  }
0x29: {  	s23 =	simm.s32 $0x0;
	[bflag:$0x0] =	sbarrier.arrive $0xFFFF  }
0x2a: {  	[tilespmem:s18], [sflag:$0x2] =	stream.linear.gather [hbm4b:s9+s23], $0x2710, $0x38;
	[tilespmem:$0xCC10] =	vst v63  }
0x2b: {  	_ =	swait.ge [sflag:s17], $0x2710  }
0x2c: {  	[sflag:s17] =	ssyncset.done $0x0  }
0x2d: {  	s26 =	simm.s32 $0xA500;
	[sflag:s17] =	ssyncadd.s32 $0xFFFFD8F0  }
0x2e: {  	[spmem:s1] =	stream.indirect.scatter.add.f32 [tilespmem:s20], [sflag:$0x1], $0x10, s26, s19, $0xb8;
	[tilespmem:$0xCC10] =	vst v63  }
0x2f: {  	s28 =	simm.s32 $0xA550  }
0x30: {  	[spmem:s1] =	stream.indirect.scatter.add.f32 [tilespmem:s20], [sflag:$0x1], $0x10, s28, s19, $0xb8;
	[tilespmem:$0xCC10] =	vst v63  }
0x31: {  	s29 =	simm.s32 $0xA5A0  }
0x32: {  	[spmem:s1] =	stream.indirect.scatter.add.f32 [tilespmem:s20], [sflag:$0x1], $0x10, s29, s19, $0xb8;
	[tilespmem:$0xCC10] =	vst v63  }
0x33: {  	s30 =	simm.s32 $0xA5F0  }
0x34: {  	[spmem:s1] =	stream.indirect.scatter.add.f32 [tilespmem:s20], [sflag:$0x1], $0x10, s30, s19, $0xb8;
	[tilespmem:$0xCC10] =	vst v63  }
0x35: {  	s31 =	simm.s32 $0xA640  }
0x36: {  	[spmem:s1] =	stream.indirect.scatter.add.f32 [tilespmem:s20], [sflag:$0x1], $0x10, s31, s19, $0xb8;
	[tilespmem:$0xCC10] =	vst v63  }
0x37: {  	_ =	swait.ge [sflag:s21], $0x500  }
0x38: {  	[sflag:s21] =	ssyncset.done $0x0  }
0x39: {  	[sflag:s21] =	ssyncadd.s32 $0xFFFFFB00  }
0x3a: {  	_ =	swait.ge [sflag:s21], $0x500  }
0x3b: {  	[sflag:s21] =	ssyncset.done $0x0  }
0x3c: {  	[sflag:s21] =	ssyncadd.s32 $0xFFFFFB00  }
0x3d: {  	_ =	swait.ge [sflag:s21], $0x500  }
0x3e: {  	[sflag:s21] =	ssyncset.done $0x0  }
0x3f: {  	[sflag:s21] =	ssyncadd.s32 $0xFFFFFB00  }
0x40: {  	_ =	swait.ge [sflag:s21], $0x500  }
0x41: {  	[sflag:s21] =	ssyncset.done $0x0  }
0x42: {  	[sflag:s21] =	ssyncadd.s32 $0xFFFFFB00  }
0x43: {  	_ =	swait.ge [sflag:s21], $0x500  }
0x44: {  	s24 =	simm.s32 $0xC80;
	s23 =	simm.s32 $0x190;
	[sflag:s21] =	ssyncset.done $0x0  }
.LBB2_6:
0x45: {  	s25 =	sadd.s32 $0xA500, s23  }
0x46: {  	[sflag:s21] =	ssyncadd.s32 $0xFFFFFB00;
	s26 =	smov.u32 s24;
	s28 =	sadd.s32 $0x640, s24  }
0x47: {  	[spmem:s1] =	stream.indirect.scatter.add.f32 [tilespmem:s20], [sflag:$0x1], $0x10, s25, s19, $0xb8;
	[tilespmem:$0xCC10] =	vst v63  }
0x48: {  	p0 =	sne.s32 s24, $0x9600;
	s24 =	sadd.s32 $0xA550, s23  }
0x49: {  	[spmem:s1] =	stream.indirect.scatter.add.f32 [tilespmem:s20], [sflag:$0x1], $0x10, s24, s19, $0xb8;
	[tilespmem:$0xCC10] =	vst v63  }
0x4a: {  	s24 =	sadd.s32 $0xA5A0, s23  }
0x4b: {  	[spmem:s1] =	stream.indirect.scatter.add.f32 [tilespmem:s20], [sflag:$0x1], $0x10, s24, s19, $0xb8;
	[tilespmem:$0xCC10] =	vst v63  }
0x4c: {  	s24 =	sadd.s32 $0xA5F0, s23  }
0x4d: {  	[spmem:s1] =	stream.indirect.scatter.add.f32 [tilespmem:s20], [sflag:$0x1], $0x10, s24, s19, $0xb8;
	[tilespmem:$0xCC10] =	vst v63  }
0x4e: {  	s23 =	sadd.s32 $0xA640, s23  }
0x4f: {  	[spmem:s1] =	stream.indirect.scatter.add.f32 [tilespmem:s20], [sflag:$0x1], $0x10, s23, s19, $0xb8;
	[tilespmem:$0xCC10] =	vst v63  }
0x50: {  	_ =	swait.ge [sflag:s21], $0x500  }
0x51: {  	[sflag:s21] =	ssyncset.done $0x0  }
0x52: {  	[sflag:s21] =	ssyncadd.s32 $0xFFFFFB00  }
0x53: {  	_ =	swait.ge [sflag:s21], $0x500  }
0x54: {  	[sflag:s21] =	ssyncset.done $0x0  }
0x55: {  	[sflag:s21] =	ssyncadd.s32 $0xFFFFFB00  }
0x56: {  	_ =	swait.ge [sflag:s21], $0x500  }
0x57: {  	[sflag:s21] =	ssyncset.done $0x0  }
0x58: {  	[sflag:s21] =	ssyncadd.s32 $0xFFFFFB00  }
.Ltmp2:
0x59: {  	_ =	swait.ge [sflag:s21], $0x500;
	(pc) =	sbr.rel @p0 .LBB2_6-.Ltmp2, $4  }
0x5a: {  	[sflag:s21] =	ssyncset.done $0x0  }
0x5b: {  	[sflag:s21] =	ssyncadd.s32 $0xFFFFFB00  }
0x5c: {  	_ =	swait.ge [sflag:s21], $0x500  }
0x5d: {  	s24 =	smov.u32 s28;
	s23 =	sshra.s32 s26, $0x2;
	[sflag:s21] =	ssyncset.done $0x0  }
0x5e: {  	s24 =	sadd.s32 $0xA500, s23;
	[sflag:s21] =	ssyncadd.s32 $0xFFFFFB00  }
0x5f: {  	[spmem:s1] =	stream.indirect.scatter.add.f32 [tilespmem:s20], [sflag:$0x1], $0x10, s24, s19, $0xb8;
	[tilespmem:$0xCC10] =	vst v63  }
0x60: {  	s29 =	sadd.s32 $0xA550, s23  }
0x61: {  	[spmem:s1] =	stream.indirect.scatter.add.f32 [tilespmem:s20], [sflag:$0x1], $0x10, s29, s19, $0xb8;
	[tilespmem:$0xCC10] =	vst v63  }
0x62: {  	s30 =	sadd.s32 $0xA5A0, s23  }
0x63: {  	[spmem:s1] =	stream.indirect.scatter.add.f32 [tilespmem:s20], [sflag:$0x1], $0x10, s30, s19, $0xb8;
	[tilespmem:$0xCC10] =	vst v63  }
0x64: {  	s31 =	sadd.s32 $0xA5F0, s23  }
0x65: {  	[spmem:s1] =	stream.indirect.scatter.add.f32 [tilespmem:s20], [sflag:$0x1], $0x10, s31, s19, $0xb8;
	[tilespmem:$0xCC10] =	vst v63  }
0x66: {  	s24 =	sadd.s32 $0xA640, s23  }
0x67: {  	[spmem:s1] =	stream.indirect.scatter.add.f32 [tilespmem:s20], [sflag:$0x1], $0x10, s24, s19, $0xb8;
	[tilespmem:$0xCC10] =	vst v63  }
0x68: {  	_ =	swait.ge [sflag:s21], $0x500  }
0x69: {  	[sflag:s21] =	ssyncset.done $0x0  }
0x6a: {  	[sflag:s21] =	ssyncadd.s32 $0xFFFFFB00  }
0x6b: {  	_ =	swait.ge [sflag:s21], $0x500  }
0x6c: {  	[sflag:s21] =	ssyncset.done $0x0  }
0x6d: {  	[sflag:s21] =	ssyncadd.s32 $0xFFFFFB00  }
0x6e: {  	_ =	swait.ge [sflag:s21], $0x500  }
0x6f: {  	[sflag:s21] =	ssyncset.done $0x0  }
0x70: {  	[sflag:s21] =	ssyncadd.s32 $0xFFFFFB00  }
0x71: {  	_ =	swait.ge [sflag:s21], $0x500  }
0x72: {  	[sflag:s21] =	ssyncset.done $0x0  }
0x73: {  	[sflag:s21] =	ssyncadd.s32 $0xFFFFFB00  }
0x74: {  	_ =	swait.ge [sflag:s21], $0x500  }
0x75: {  	[sflag:s21] =	ssyncset.done $0x0  }
0x76: {  	s25 =	simm.s32 $0x0;
	[sflag:s21] =	ssyncadd.s32 $0xFFFFFB00  }
0x77: {  	[tilespmem:s18], [sflag:$0x2] =	stream.linear.gather [hbm4b:s11+s25], $0x2710, $0x38;
	[tilespmem:$0xCC10] =	vst v63  }
0x78: {  	_ =	swait.ge [sflag:s17], $0x2710  }
0x79: {  	[sflag:s17] =	ssyncset.done $0x0  }
0x7a: {  	s26 =	simm.s32 $0xA500;
	[sflag:s17] =	ssyncadd.s32 $0xFFFFD8F0  }
0x7b: {  	[spmem:s3] =	stream.indirect.scatter.add.f32 [tilespmem:s20], [sflag:$0x1], $0x10, s26, s19, $0xb8;
	[tilespmem:$0xCC10] =	vst v63  }
0x7c: {  	s28 =	simm.s32 $0xA550  }
0x7d: {  	[spmem:s3] =	stream.indirect.scatter.add.f32 [tilespmem:s20], [sflag:$0x1], $0x10, s28, s19, $0xb8;
	[tilespmem:$0xCC10] =	vst v63  }
0x7e: {  	s29 =	simm.s32 $0xA5A0  }
0x7f: {  	[spmem:s3] =	stream.indirect.scatter.add.f32 [tilespmem:s20], [sflag:$0x1], $0x10, s29, s19, $0xb8;
	[tilespmem:$0xCC10] =	vst v63  }
0x80: {  	s30 =	simm.s32 $0xA5F0  }
0x81: {  	[spmem:s3] =	stream.indirect.scatter.add.f32 [tilespmem:s20], [sflag:$0x1], $0x10, s30, s19, $0xb8;
	[tilespmem:$0xCC10] =	vst v63  }
0x82: {  	s31 =	simm.s32 $0xA640  }
0x83: {  	[spmem:s3] =	stream.indirect.scatter.add.f32 [tilespmem:s20], [sflag:$0x1], $0x10, s31, s19, $0xb8;
	[tilespmem:$0xCC10] =	vst v63  }
0x84: {  	_ =	swait.ge [sflag:s21], $0x500  }
0x85: {  	[sflag:s21] =	ssyncset.done $0x0  }
0x86: {  	[sflag:s21] =	ssyncadd.s32 $0xFFFFFB00  }
0x87: {  	_ =	swait.ge [sflag:s21], $0x500  }
0x88: {  	[sflag:s21] =	ssyncset.done $0x0  }
0x89: {  	[sflag:s21] =	ssyncadd.s32 $0xFFFFFB00  }
0x8a: {  	_ =	swait.ge [sflag:s21], $0x500  }
0x8b: {  	[sflag:s21] =	ssyncset.done $0x0  }
0x8c: {  	[sflag:s21] =	ssyncadd.s32 $0xFFFFFB00  }
0x8d: {  	_ =	swait.ge [sflag:s21], $0x500  }
0x8e: {  	[sflag:s21] =	ssyncset.done $0x0  }
0x8f: {  	[sflag:s21] =	ssyncadd.s32 $0xFFFFFB00  }
0x90: {  	_ =	swait.ge [sflag:s21], $0x500  }
0x91: {  	s23 =	simm.s32 $0x190;
	s24 =	simm.s32 $0xC80;
	[sflag:s21] =	ssyncset.done $0x0  }
.LBB2_8:
0x92: {  	s25 =	sadd.s32 $0xA500, s23  }
0x93: {  	[sflag:s21] =	ssyncadd.s32 $0xFFFFFB00;
	s26 =	smov.u32 s24;
	s28 =	sadd.s32 $0x640, s24  }
0x94: {  	[spmem:s3] =	stream.indirect.scatter.add.f32 [tilespmem:s20], [sflag:$0x1], $0x10, s25, s19, $0xb8;
	[tilespmem:$0xCC10] =	vst v63  }
0x95: {  	p0 =	sne.s32 s24, $0x9600;
	s24 =	sadd.s32 $0xA550, s23  }
0x96: {  	[spmem:s3] =	stream.indirect.scatter.add.f32 [tilespmem:s20], [sflag:$0x1], $0x10, s24, s19, $0xb8;
	[tilespmem:$0xCC10] =	vst v63  }
0x97: {  	s24 =	sadd.s32 $0xA5A0, s23  }
0x98: {  	[spmem:s3] =	stream.indirect.scatter.add.f32 [tilespmem:s20], [sflag:$0x1], $0x10, s24, s19, $0xb8;
	[tilespmem:$0xCC10] =	vst v63  }
0x99: {  	s24 =	sadd.s32 $0xA5F0, s23  }
0x9a: {  	[spmem:s3] =	stream.indirect.scatter.add.f32 [tilespmem:s20], [sflag:$0x1], $0x10, s24, s19, $0xb8;
	[tilespmem:$0xCC10] =	vst v63  }
0x9b: {  	s23 =	sadd.s32 $0xA640, s23  }
0x9c: {  	[spmem:s3] =	stream.indirect.scatter.add.f32 [tilespmem:s20], [sflag:$0x1], $0x10, s23, s19, $0xb8;
	[tilespmem:$0xCC10] =	vst v63  }
0x9d: {  	_ =	swait.ge [sflag:s21], $0x500  }
0x9e: {  	[sflag:s21] =	ssyncset.done $0x0  }
0x9f: {  	[sflag:s21] =	ssyncadd.s32 $0xFFFFFB00  }
0xa0: {  	_ =	swait.ge [sflag:s21], $0x500  }
0xa1: {  	[sflag:s21] =	ssyncset.done $0x0  }
0xa2: {  	[sflag:s21] =	ssyncadd.s32 $0xFFFFFB00  }
0xa3: {  	_ =	swait.ge [sflag:s21], $0x500  }
0xa4: {  	[sflag:s21] =	ssyncset.done $0x0  }
0xa5: {  	[sflag:s21] =	ssyncadd.s32 $0xFFFFFB00  }
.Ltmp3:
0xa6: {  	_ =	swait.ge [sflag:s21], $0x500;
	(pc) =	sbr.rel @p0 .LBB2_8-.Ltmp3, $4  }
0xa7: {  	[sflag:s21] =	ssyncset.done $0x0  }
0xa8: {  	[sflag:s21] =	ssyncadd.s32 $0xFFFFFB00  }
0xa9: {  	_ =	swait.ge [sflag:s21], $0x500  }
0xaa: {  	s24 =	smov.u32 s28;
	s23 =	sshra.s32 s26, $0x2;
	[sflag:s21] =	ssyncset.done $0x0  }
0xab: {  	s24 =	sadd.s32 $0xA500, s23;
	[sflag:s21] =	ssyncadd.s32 $0xFFFFFB00  }
0xac: {  	[spmem:s3] =	stream.indirect.scatter.add.f32 [tilespmem:s20], [sflag:$0x1], $0x10, s24, s19, $0xb8;
	[tilespmem:$0xCC10] =	vst v63  }
0xad: {  	s29 =	sadd.s32 $0xA550, s23  }
0xae: {  	[spmem:s3] =	stream.indirect.scatter.add.f32 [tilespmem:s20], [sflag:$0x1], $0x10, s29, s19, $0xb8;
	[tilespmem:$0xCC10] =	vst v63  }
0xaf: {  	s30 =	sadd.s32 $0xA5A0, s23  }
0xb0: {  	[spmem:s3] =	stream.indirect.scatter.add.f32 [tilespmem:s20], [sflag:$0x1], $0x10, s30, s19, $0xb8;
	[tilespmem:$0xCC10] =	vst v63  }
0xb1: {  	s31 =	sadd.s32 $0xA5F0, s23  }
0xb2: {  	[spmem:s3] =	stream.indirect.scatter.add.f32 [tilespmem:s20], [sflag:$0x1], $0x10, s31, s19, $0xb8;
	[tilespmem:$0xCC10] =	vst v63  }
0xb3: {  	s24 =	sadd.s32 $0xA640, s23  }
0xb4: {  	[spmem:s3] =	stream.indirect.scatter.add.f32 [tilespmem:s20], [sflag:$0x1], $0x10, s24, s19, $0xb8;
	[tilespmem:$0xCC10] =	vst v63  }
0xb5: {  	_ =	swait.ge [sflag:s21], $0x500  }
0xb6: {  	[sflag:s21] =	ssyncset.done $0x0  }
0xb7: {  	[sflag:s21] =	ssyncadd.s32 $0xFFFFFB00  }
0xb8: {  	_ =	swait.ge [sflag:s21], $0x500  }
0xb9: {  	[sflag:s21] =	ssyncset.done $0x0  }
0xba: {  	[sflag:s21] =	ssyncadd.s32 $0xFFFFFB00  }
0xbb: {  	_ =	swait.ge [sflag:s21], $0x500  }
0xbc: {  	[sflag:s21] =	ssyncset.done $0x0  }
0xbd: {  	[sflag:s21] =	ssyncadd.s32 $0xFFFFFB00  }
0xbe: {  	_ =	swait.ge [sflag:s21], $0x500  }
0xbf: {  	[sflag:s21] =	ssyncset.done $0x0  }
0xc0: {  	[sflag:s21] =	ssyncadd.s32 $0xFFFFFB00  }
0xc1: {  	_ =	swait.ge [sflag:s21], $0x500  }
0xc2: {  	[sflag:s21] =	ssyncset.done $0x0  }
0xc3: {  	s25 =	simm.s32 $0x0;
	[sflag:s21] =	ssyncadd.s32 $0xFFFFFB00  }
0xc4: {  	[tilespmem:s18], [sflag:$0x2] =	stream.linear.gather [hbm4b:s12+s25], $0x2710, $0x38;
	[tilespmem:$0xCC10] =	vst v63  }
0xc5: {  	_ =	swait.ge [sflag:s17], $0x2710  }
0xc6: {  	[sflag:s17] =	ssyncset.done $0x0  }
0xc7: {  	s26 =	simm.s32 $0xA500;
	[sflag:s17] =	ssyncadd.s32 $0xFFFFD8F0  }
0xc8: {  	[spmem:s4] =	stream.indirect.scatter.add.f32 [tilespmem:s20], [sflag:$0x1], $0x10, s26, s19, $0xb8;
	[tilespmem:$0xCC10] =	vst v63  }
0xc9: {  	s28 =	simm.s32 $0xA550  }
0xca: {  	[spmem:s4] =	stream.indirect.scatter.add.f32 [tilespmem:s20], [sflag:$0x1], $0x10, s28, s19, $0xb8;
	[tilespmem:$0xCC10] =	vst v63  }
0xcb: {  	s29 =	simm.s32 $0xA5A0  }
0xcc: {  	[spmem:s4] =	stream.indirect.scatter.add.f32 [tilespmem:s20], [sflag:$0x1], $0x10, s29, s19, $0xb8;
	[tilespmem:$0xCC10] =	vst v63  }
0xcd: {  	s30 =	simm.s32 $0xA5F0  }
0xce: {  	[spmem:s4] =	stream.indirect.scatter.add.f32 [tilespmem:s20], [sflag:$0x1], $0x10, s30, s19, $0xb8;
	[tilespmem:$0xCC10] =	vst v63  }
0xcf: {  	s31 =	simm.s32 $0xA640  }
0xd0: {  	[spmem:s4] =	stream.indirect.scatter.add.f32 [tilespmem:s20], [sflag:$0x1], $0x10, s31, s19, $0xb8;
	[tilespmem:$0xCC10] =	vst v63  }
0xd1: {  	_ =	swait.ge [sflag:s21], $0x500  }
0xd2: {  	[sflag:s21] =	ssyncset.done $0x0  }
0xd3: {  	[sflag:s21] =	ssyncadd.s32 $0xFFFFFB00  }
0xd4: {  	_ =	swait.ge [sflag:s21], $0x500  }
0xd5: {  	[sflag:s21] =	ssyncset.done $0x0  }
0xd6: {  	[sflag:s21] =	ssyncadd.s32 $0xFFFFFB00  }
0xd7: {  	_ =	swait.ge [sflag:s21], $0x500  }
0xd8: {  	[sflag:s21] =	ssyncset.done $0x0  }
0xd9: {  	[sflag:s21] =	ssyncadd.s32 $0xFFFFFB00  }
0xda: {  	_ =	swait.ge [sflag:s21], $0x500  }
0xdb: {  	[sflag:s21] =	ssyncset.done $0x0  }
0xdc: {  	[sflag:s21] =	ssyncadd.s32 $0xFFFFFB00  }
0xdd: {  	_ =	swait.ge [sflag:s21], $0x500  }
0xde: {  	s23 =	simm.s32 $0x190;
	s24 =	simm.s32 $0xC80;
	[sflag:s21] =	ssyncset.done $0x0  }
.LBB2_10:
0xdf: {  	s25 =	sadd.s32 $0xA500, s23  }
0xe0: {  	[sflag:s21] =	ssyncadd.s32 $0xFFFFFB00;
	s26 =	smov.u32 s24;
	s28 =	sadd.s32 $0x640, s24  }
0xe1: {  	[spmem:s4] =	stream.indirect.scatter.add.f32 [tilespmem:s20], [sflag:$0x1], $0x10, s25, s19, $0xb8;
	[tilespmem:$0xCC10] =	vst v63  }
0xe2: {  	p0 =	sne.s32 s24, $0x9600;
	s24 =	sadd.s32 $0xA550, s23  }
0xe3: {  	[spmem:s4] =	stream.indirect.scatter.add.f32 [tilespmem:s20], [sflag:$0x1], $0x10, s24, s19, $0xb8;
	[tilespmem:$0xCC10] =	vst v63  }
0xe4: {  	s24 =	sadd.s32 $0xA5A0, s23  }
0xe5: {  	[spmem:s4] =	stream.indirect.scatter.add.f32 [tilespmem:s20], [sflag:$0x1], $0x10, s24, s19, $0xb8;
	[tilespmem:$0xCC10] =	vst v63  }
0xe6: {  	s24 =	sadd.s32 $0xA5F0, s23  }
0xe7: {  	[spmem:s4] =	stream.indirect.scatter.add.f32 [tilespmem:s20], [sflag:$0x1], $0x10, s24, s19, $0xb8;
	[tilespmem:$0xCC10] =	vst v63  }
0xe8: {  	s23 =	sadd.s32 $0xA640, s23  }
0xe9: {  	[spmem:s4] =	stream.indirect.scatter.add.f32 [tilespmem:s20], [sflag:$0x1], $0x10, s23, s19, $0xb8;
	[tilespmem:$0xCC10] =	vst v63  }
0xea: {  	_ =	swait.ge [sflag:s21], $0x500  }
0xeb: {  	[sflag:s21] =	ssyncset.done $0x0  }
0xec: {  	[sflag:s21] =	ssyncadd.s32 $0xFFFFFB00  }
0xed: {  	_ =	swait.ge [sflag:s21], $0x500  }
0xee: {  	[sflag:s21] =	ssyncset.done $0x0  }
0xef: {  	[sflag:s21] =	ssyncadd.s32 $0xFFFFFB00  }
0xf0: {  	_ =	swait.ge [sflag:s21], $0x500  }
0xf1: {  	[sflag:s21] =	ssyncset.done $0x0  }
0xf2: {  	[sflag:s21] =	ssyncadd.s32 $0xFFFFFB00  }
.Ltmp4:
0xf3: {  	_ =	swait.ge [sflag:s21], $0x500;
	(pc) =	sbr.rel @p0 .LBB2_10-.Ltmp4, $4  }
0xf4: {  	[sflag:s21] =	ssyncset.done $0x0  }
0xf5: {  	[sflag:s21] =	ssyncadd.s32 $0xFFFFFB00  }
0xf6: {  	_ =	swait.ge [sflag:s21], $0x500  }
0xf7: {  	s24 =	smov.u32 s28;
	s23 =	sshra.s32 s26, $0x2;
	[sflag:s21] =	ssyncset.done $0x0  }
0xf8: {  	s24 =	sadd.s32 $0xA500, s23;
	[sflag:s21] =	ssyncadd.s32 $0xFFFFFB00  }
0xf9: {  	[spmem:s4] =	stream.indirect.scatter.add.f32 [tilespmem:s20], [sflag:$0x1], $0x10, s24, s19, $0xb8;
	[tilespmem:$0xCC10] =	vst v63  }
0xfa: {  	s28 =	sadd.s32 $0xA550, s23  }
0xfb: {  	[spmem:s4] =	stream.indirect.scatter.add.f32 [tilespmem:s20], [sflag:$0x1], $0x10, s28, s19, $0xb8;
	[tilespmem:$0xCC10] =	vst v63  }
0xfc: {  	s29 =	sadd.s32 $0xA5A0, s23  }
0xfd: {  	[spmem:s4] =	stream.indirect.scatter.add.f32 [tilespmem:s20], [sflag:$0x1], $0x10, s29, s19, $0xb8;
	[tilespmem:$0xCC10] =	vst v63  }
0xfe: {  	s30 =	sadd.s32 $0xA5F0, s23  }
0xff: {  	[spmem:s4] =	stream.indirect.scatter.add.f32 [tilespmem:s20], [sflag:$0x1], $0x10, s30, s19, $0xb8;
	[tilespmem:$0xCC10] =	vst v63  }
0x100: {  	s31 =	sadd.s32 $0xA640, s23  }
0x101: {  	[spmem:s4] =	stream.indirect.scatter.add.f32 [tilespmem:s20], [sflag:$0x1], $0x10, s31, s19, $0xb8;
	[tilespmem:$0xCC10] =	vst v63  }
0x102: {  	_ =	swait.ge [sflag:s21], $0x500  }
0x103: {  	[sflag:s21] =	ssyncset.done $0x0  }
0x104: {  	[sflag:s21] =	ssyncadd.s32 $0xFFFFFB00  }
0x105: {  	_ =	swait.ge [sflag:s21], $0x500  }
0x106: {  	[sflag:s21] =	ssyncset.done $0x0  }
0x107: {  	[sflag:s21] =	ssyncadd.s32 $0xFFFFFB00  }
0x108: {  	_ =	swait.ge [sflag:s21], $0x500  }
0x109: {  	[sflag:s21] =	ssyncset.done $0x0  }
0x10a: {  	[sflag:s21] =	ssyncadd.s32 $0xFFFFFB00  }
0x10b: {  	_ =	swait.ge [sflag:s21], $0x500  }
0x10c: {  	[sflag:s21] =	ssyncset.done $0x0  }
0x10d: {  	[sflag:s21] =	ssyncadd.s32 $0xFFFFFB00  }
0x10e: {  	_ =	swait.ge [sflag:s21], $0x500  }
0x10f: {  	[sflag:s21] =	ssyncset.done $0x0  }
0x110: {  	[sflag:s21] =	ssyncadd.s32 $0xFFFFFB00  }
0x111: {  	[bflag:$0x0] =	sbarrier.arrive $0xFFFF  }
0x112: {  	[tilespmem:s16], [sflag:$0x2] =	stream.linear.gather [spmem:s6], $0x2800, $0x38;
	[tilespmem:$0xCC10] =	vst v63  }
0x113: {  	_ =	swait.ge [sflag:s17], $0x2800  }
0x114: {  	[sflag:s17] =	ssyncset.done $0x0  }
0x115: {  	[sflag:s17] =	ssyncadd.s32 $0xFFFFD800  }
0x116: {  	[hbm4b:s10+s5] =	stream.linear.scatter [tilespmem:s16], [sflag:$0x2], $0x2800, $0x38;
	[tilespmem:$0xCC10] =	vst v63  }
0x117: {  	_ =	swait.ge [sflag:s17], $0x2800  }
0x118: {  	[sflag:s17] =	ssyncset.done $0x0  }
0x119: {  	[sflag:s17] =	ssyncadd.s32 $0xFFFFD800  }
0x11a: {  	[tilespmem:s16], [sflag:$0x2] =	stream.linear.gather [spmem:s7], $0x2800, $0x38;
	[tilespmem:$0xCC10] =	vst v63  }
0x11b: {  	_ =	swait.ge [sflag:s17], $0x2800  }
0x11c: {  	[sflag:s17] =	ssyncset.done $0x0  }
0x11d: {  	[sflag:s17] =	ssyncadd.s32 $0xFFFFD800  }
0x11e: {  	[hbm4b:s13+s5] =	stream.linear.scatter [tilespmem:s16], [sflag:$0x2], $0x2800, $0x38;
	[tilespmem:$0xCC10] =	vst v63  }
0x11f: {  	_ =	swait.ge [sflag:s17], $0x2800  }
0x120: {  	[sflag:s17] =	ssyncset.done $0x0  }
0x121: {  	[sflag:s17] =	ssyncadd.s32 $0xFFFFD800  }
0x122: {  	[tilespmem:s16], [sflag:$0x2] =	stream.linear.gather [spmem:s8], $0x2800, $0x38;
	[tilespmem:$0xCC10] =	vst v63  }
0x123: {  	s22 =	sadd.s32 $0x1, s22;
	_ =	swait.ge [sflag:s17], $0x2800  }
0x124: {  	p0 =	sne.s32 s22, s15;
	[sflag:s17] =	ssyncset.done $0x0  }
.Ltmp5:
0x125: {  	[sflag:s17] =	ssyncadd.s32 $0xFFFFD800;
	(pc) =	sbr.rel @p0 .LBB2_1-.Ltmp5, $4  }
0x126: {  	[hbm4b:s14+s5] =	stream.linear.scatter [tilespmem:s16], [sflag:$0x2], $0x2800, $0x38;
	[tilespmem:$0xCC10] =	vst v63  }
0x127: {  	_ =	swait.ge [sflag:s17], $0x2800  }
0x128: {  	[sflag:s17] =	ssyncset.done $0x0  }
0x129: {  	[sflag:s17] =	ssyncadd.s32 $0xFFFFD800  }
0x12a: {  	_ =	sfence.sel $0x180000  }
0x12b: {  	[bflag:$0x0] =	sbarrier.arrive $0xFFFF  }
0x12c: {  	p0 =	sne.s32 s0, $0x0;
	_ =	strace $0x90000047  }
0x12d: {  	s0 =	sadd.s32 @!p0 $0x100000, s2;
	[bflag:$0x2] =	sbarrier.arrive $0xFFFF  }
0x12e: {  	[sflag:s0] =	ssyncadd.tile.s32 @!p0 $0x1;
	_ =	shalt  }
.Lfunc_end2:
_tile_overlayer_lowered:
.L_overlay_start_2:
0x12f: {  	(tag) =	ssettag $0x2  }
0x130: {  	s0 =	rddreg [dreg:$0x0];
	s2 =	stileid.u32  }
0x131: {  	s1 =	rddreg [dreg:$0x1];
	p0 =	sne.s32 s2, $0x0  }
0x132: {  	s3 =	rddreg [dreg:$0x2];
	[bflag:$0x3] =	sbarrier.arrive $0xFFFF;
	s2 =	simm.s32 @!p0 $0x1C02  }
0x133: {  	[timem:s3], [sflag:s2] =	dma.local @!p0 [hbm:s0], s1  }
0x134: {  	s0 =	simm.s32 @!p0 $0x2  }
0x135: {  	_ =	swait.ge @!p0 [sflag:s0], s1  }
0x136: {  	s1 =	ssub.s32 @!p0 $0x0, s1;
	[sflag:s0] =	ssyncset.done @!p0 $0x0  }
0x137: {  	[sflag:s0] =	ssyncadd.s32 @!p0 s1  }
0x138: {  	[bflag:$0x3] =	sbarrier.arrive $0xFFFF  }
0x139: {  	_ =	shalt  }

</sc_bundles>
